<compile_context>
chip_gen: v7x
topology: tpu7x:2x2x1
jax: 0.10.2.dev20260603
libtpu: 0.0.44.dev20260713+nightly
codegen_flags: <defaults>
</compile_context>

<pallas_src>
import jax
import jax.numpy as jnp
from jax import lax
from jax.experimental import pallas as pl
from jax.experimental.pallas import tpu as pltpu
from jax.experimental.pallas import tpu_sc as plsc

ROWS = 64
COLS = 32768
BINS = 1024
L = 16
NC = 2
NS = 16
NW = NC * NS
CHUNK = 16
NCH = 2
CW = COLS // NCH


def _zero_tbl(tbl_v):
    zeros = jnp.zeros((L,), jnp.float32)

    @plsc.parallel_loop(0, BINS, step=L, unroll=4)
    def zloop(i):
        tbl_v[pl.ds(i, L)] = zeros


def _hist(vals_v, tbl_v, base):
    ones = jnp.ones((L,), jnp.float32)

    @plsc.parallel_loop(base, base + CW, step=L, unroll=CHUNK)
    def hloop(i):
        v = vals_v[pl.ds(i, L)]
        plsc.addupdate_scatter(tbl_v, [v], ones)


def _invert(tbl_v):
    @plsc.parallel_loop(0, BINS, step=L, unroll=4)
    def iloop(i):
        tbl_v[pl.ds(i, L)] = 1.0 / tbl_v[pl.ds(i, L)]


def _gather(vals_v, tbl_v, out_v, base):
    @plsc.parallel_loop(base, base + CW, step=L, unroll=CHUNK)
    def gloop(i):
        v = vals_v[pl.ds(i, L)]
        out_v[pl.ds(i, L)] = plsc.load_gather(tbl_v, [v])


def _body(in_hbm, out_hbm, v0, v1, o_v, tbl_v, *sems):
    si0 = sems[0:NCH]
    si1 = sems[NCH:2 * NCH]
    so0 = sems[2 * NCH]
    so1 = sems[2 * NCH + 1]
    wid = lax.axis_index("s") * NC + lax.axis_index("c")
    row0 = wid * 2
    row1 = row0 + 1

    in0 = [
        pltpu.async_copy(
            in_hbm.at[row0, pl.ds(c * CW, CW)], v0.at[pl.ds(c * CW, CW)], si0[c]
        )
        for c in range(NCH)
    ]
    in1 = [
        pltpu.async_copy(
            in_hbm.at[row1, pl.ds(c * CW, CW)], v1.at[pl.ds(c * CW, CW)], si1[c]
        )
        for c in range(NCH)
    ]

    _zero_tbl(tbl_v)
    for c in range(NCH):
        in0[c].wait()
        _hist(v0, tbl_v, c * CW)
    _invert(tbl_v)

    out0 = []
    for c in range(NCH):
        _gather(v0, tbl_v, o_v, c * CW)
        out0.append(
            pltpu.async_copy(
                o_v.at[pl.ds(c * CW, CW)], out_hbm.at[row0, pl.ds(c * CW, CW)], so0
            )
        )

    _zero_tbl(tbl_v)
    for c in range(NCH):
        in1[c].wait()
        _hist(v1, tbl_v, c * CW)
    _invert(tbl_v)

    for c in range(NCH):
        out0[c].wait()

    out1 = []
    for c in range(NCH):
        _gather(v1, tbl_v, o_v, c * CW)
        out1.append(
            pltpu.async_copy(
                o_v.at[pl.ds(c * CW, CW)], out_hbm.at[row1, pl.ds(c * CW, CW)], so1
            )
        )
    for c in range(NCH):
        out1[c].wait()


@jax.jit
def kernel(inputs):
    k = pl.kernel(
        _body,
        out_type=jax.ShapeDtypeStruct((ROWS, COLS), jnp.float32),
        mesh=plsc.VectorSubcoreMesh(core_axis_name="c", subcore_axis_name="s"),
        scratch_types=[
            pltpu.VMEM((COLS,), jnp.int32),
            pltpu.VMEM((COLS,), jnp.int32),
            pltpu.VMEM((COLS,), jnp.float32),
            pltpu.VMEM((BINS,), jnp.float32),
        ]
        + [pltpu.SemaphoreType.DMA] * (2 * NCH + 2),
        compiler_params=pltpu.CompilerParams(needs_layout_passes=False),
    )
    return k(inputs.astype(jnp.int32))

# --- scband reference (transcript-rebuilt; emitter-appended) ---
"""Pipeline reference for scband-inverse-frequency-6167573037147 (READ-ONLY COPY).

The authoritative reference and input builder live on the scoring server;
editing this copy changes nothing except your own understanding.
"""

import jax, jax.numpy as jnp
import numpy as np

NUM_BINS = 1024  # upper bound on value range (fill_max)


def setup_inputs(seed: int = 0) -> dict:
    key = jax.random.key(seed)
    inputs = jax.random.randint(key, (64, 32768), 0, NUM_BINS, dtype=jnp.int32)
    return {"inputs": inputs}


def reference(inputs):
    # Faithful translation of InverseFrequency.call:
    # for each row (keras.ops.map over the leading axis):
    #   unique, idx, count = unique-with-inverse-and-counts of the row
    #   inv_counts = 1.0 / count
    #   frequencies = inv_counts[idx]
    # which is exactly: freq[i] = 1 / (number of occurrences of row[i] in row).
    x = inputs.astype(jnp.int32)

    def compute_inverse_freq(row):
        counts = jnp.bincount(row, length=NUM_BINS).astype(jnp.float32)
        # gather each element's count of its own value; every present value has count >= 1
        return 1.0 / jnp.take(counts, row, axis=-1)

    return jax.vmap(compute_inverse_freq)(x)

if __name__ == "__main__":
    import jax
    _d = setup_inputs()
    print(jax.jit(kernel)(*tuple(_d.values())))

</pallas_src>

<mosaic_0001>
#map = affine_map<(d0, d1) -> (0, 0)>
module attributes {stable_mosaic.version = 14 : i64} {
  func.func @_body(%arg0: i32, %arg1: i32, %arg2: memref<64x32768xi32, #tpu.memory_space<hbm>>, %arg3: memref<64x32768xf32, #tpu.memory_space<hbm>>, %arg4: memref<32768xi32, #tpu.memory_space<vmem>>, %arg5: memref<32768xi32, #tpu.memory_space<vmem>>, %arg6: memref<32768xf32, #tpu.memory_space<vmem>>, %arg7: memref<1024xf32, #tpu.memory_space<vmem>>, %arg8: memref<!tpu.dma_semaphore, #tpu.memory_space<semaphore_mem>>, %arg9: memref<!tpu.dma_semaphore, #tpu.memory_space<semaphore_mem>>, %arg10: memref<!tpu.dma_semaphore, #tpu.memory_space<semaphore_mem>>, %arg11: memref<!tpu.dma_semaphore, #tpu.memory_space<semaphore_mem>>, %arg12: memref<!tpu.dma_semaphore, #tpu.memory_space<semaphore_mem>>, %arg13: memref<!tpu.dma_semaphore, #tpu.memory_space<semaphore_mem>>) attributes {dimension_semantics = [#tpu.dimension_semantics<core_parallel>, #tpu.dimension_semantics<subcore_parallel>], iteration_bounds = array<i64: 2, 16>, scalar_prefetch = 0 : i64, scratch_operands = 10 : i64, tpu.core_type = #tpu.core_type<sc_vector_subcore>, window_params = [{transform_indices = #map}, {transform_indices = #map}]} {
    %mul3A = arith.constant 2 : i32
    %mul3A_0 = arith.muli %arg1, %mul3A : i32
    %add3A = arith.addi %mul3A_0, %arg0 : i32
    %mul3A_1 = arith.constant 2 : i32
    %mul3A_2 = arith.muli %add3A, %mul3A_1 : i32
    %add3A_3 = arith.constant 1 : i32
    %add3A_4 = arith.addi %mul3A_2, %add3A_3 : i32
    %dma_start3A = arith.constant 0 : i32
    %dma_start3A_5 = tpu.memref_slice %arg4[%dma_start3A] : memref<32768xi32, #tpu.memory_space<vmem>> -> memref<16384xi32, #tpu.memory_space<vmem>>
    %dma_start3A_6 = arith.constant 0 : i32
    %dma_start3A_7 = tpu.memref_slice %arg2[%mul3A_2, %dma_start3A_6] : memref<64x32768xi32, #tpu.memory_space<hbm>> -> memref<1x16384xi32, #tpu.memory_space<hbm>>
    %dma_start3A_8 = tpu.memref_squeeze %dma_start3A_7 : memref<1x16384xi32, #tpu.memory_space<hbm>> -> memref<16384xi32, #tpu.memory_space<hbm>>
    %dma_start3A_9 = arith.constant 0 : i32
    %dma_start3A_10 = tpu.memref_slice %arg4[%dma_start3A_9] : memref<32768xi32, #tpu.memory_space<vmem>> -> memref<16384xi32, #tpu.memory_space<vmem>>
    %dma_start3A_11 = arith.constant 0 : i32
    %dma_start3A_12 = tpu.memref_slice %arg2[%mul3A_2, %dma_start3A_11] : memref<64x32768xi32, #tpu.memory_space<hbm>> -> memref<1x16384xi32, #tpu.memory_space<hbm>>
    %dma_start3A_13 = tpu.memref_squeeze %dma_start3A_12 : memref<1x16384xi32, #tpu.memory_space<hbm>> -> memref<16384xi32, #tpu.memory_space<hbm>>
    tpu.enqueue_dma source(%dma_start3A_13 : memref<16384xi32, #tpu.memory_space<hbm>>) target(%dma_start3A_10 : memref<16384xi32, #tpu.memory_space<vmem>>) target_semaphore(%arg8 : memref<!tpu.dma_semaphore, #tpu.memory_space<semaphore_mem>>)
    %dma_start3A_14 = arith.constant 16384 : i32
    %dma_start3A_15 = tpu.memref_slice %arg4[%dma_start3A_14] : memref<32768xi32, #tpu.memory_space<vmem>> -> memref<16384xi32, #tpu.memory_space<vmem>>
    %dma_start3A_16 = arith.constant 16384 : i32
    %dma_start3A_17 = tpu.memref_slice %arg2[%mul3A_2, %dma_start3A_16] : memref<64x32768xi32, #tpu.memory_space<hbm>> -> memref<1x16384xi32, #tpu.memory_space<hbm>>
    %dma_start3A_18 = tpu.memref_squeeze %dma_start3A_17 : memref<1x16384xi32, #tpu.memory_space<hbm>> -> memref<16384xi32, #tpu.memory_space<hbm>>
    %dma_start3A_19 = arith.constant 16384 : i32
    %dma_start3A_20 = tpu.memref_slice %arg4[%dma_start3A_19] : memref<32768xi32, #tpu.memory_space<vmem>> -> memref<16384xi32, #tpu.memory_space<vmem>>
    %dma_start3A_21 = arith.constant 16384 : i32
    %dma_start3A_22 = tpu.memref_slice %arg2[%mul3A_2, %dma_start3A_21] : memref<64x32768xi32, #tpu.memory_space<hbm>> -> memref<1x16384xi32, #tpu.memory_space<hbm>>
    %dma_start3A_23 = tpu.memref_squeeze %dma_start3A_22 : memref<1x16384xi32, #tpu.memory_space<hbm>> -> memref<16384xi32, #tpu.memory_space<hbm>>
    tpu.enqueue_dma source(%dma_start3A_23 : memref<16384xi32, #tpu.memory_space<hbm>>) target(%dma_start3A_20 : memref<16384xi32, #tpu.memory_space<vmem>>) target_semaphore(%arg9 : memref<!tpu.dma_semaphore, #tpu.memory_space<semaphore_mem>>)
    %dma_start3A_24 = arith.constant 0 : i32
    %dma_start3A_25 = tpu.memref_slice %arg5[%dma_start3A_24] : memref<32768xi32, #tpu.memory_space<vmem>> -> memref<16384xi32, #tpu.memory_space<vmem>>
    %dma_start3A_26 = arith.constant 0 : i32
    %dma_start3A_27 = tpu.memref_slice %arg2[%add3A_4, %dma_start3A_26] : memref<64x32768xi32, #tpu.memory_space<hbm>> -> memref<1x16384xi32, #tpu.memory_space<hbm>>
    %dma_start3A_28 = tpu.memref_squeeze %dma_start3A_27 : memref<1x16384xi32, #tpu.memory_space<hbm>> -> memref<16384xi32, #tpu.memory_space<hbm>>
    %dma_start3A_29 = arith.constant 0 : i32
    %dma_start3A_30 = tpu.memref_slice %arg5[%dma_start3A_29] : memref<32768xi32, #tpu.memory_space<vmem>> -> memref<16384xi32, #tpu.memory_space<vmem>>
    %dma_start3A_31 = arith.constant 0 : i32
    %dma_start3A_32 = tpu.memref_slice %arg2[%add3A_4, %dma_start3A_31] : memref<64x32768xi32, #tpu.memory_space<hbm>> -> memref<1x16384xi32, #tpu.memory_space<hbm>>
    %dma_start3A_33 = tpu.memref_squeeze %dma_start3A_32 : memref<1x16384xi32, #tpu.memory_space<hbm>> -> memref<16384xi32, #tpu.memory_space<hbm>>
    tpu.enqueue_dma source(%dma_start3A_33 : memref<16384xi32, #tpu.memory_space<hbm>>) target(%dma_start3A_30 : memref<16384xi32, #tpu.memory_space<vmem>>) target_semaphore(%arg10 : memref<!tpu.dma_semaphore, #tpu.memory_space<semaphore_mem>>)
    %dma_start3A_34 = arith.constant 16384 : i32
    %dma_start3A_35 = tpu.memref_slice %arg5[%dma_start3A_34] : memref<32768xi32, #tpu.memory_space<vmem>> -> memref<16384xi32, #tpu.memory_space<vmem>>
    %dma_start3A_36 = arith.constant 16384 : i32
    %dma_start3A_37 = tpu.memref_slice %arg2[%add3A_4, %dma_start3A_36] : memref<64x32768xi32, #tpu.memory_space<hbm>> -> memref<1x16384xi32, #tpu.memory_space<hbm>>
    %dma_start3A_38 = tpu.memref_squeeze %dma_start3A_37 : memref<1x16384xi32, #tpu.memory_space<hbm>> -> memref<16384xi32, #tpu.memory_space<hbm>>
    %dma_start3A_39 = arith.constant 16384 : i32
    %dma_start3A_40 = tpu.memref_slice %arg5[%dma_start3A_39] : memref<32768xi32, #tpu.memory_space<vmem>> -> memref<16384xi32, #tpu.memory_space<vmem>>
    %dma_start3A_41 = arith.constant 16384 : i32
    %dma_start3A_42 = tpu.memref_slice %arg2[%add3A_4, %dma_start3A_41] : memref<64x32768xi32, #tpu.memory_space<hbm>> -> memref<1x16384xi32, #tpu.memory_space<hbm>>
    %dma_start3A_43 = tpu.memref_squeeze %dma_start3A_42 : memref<1x16384xi32, #tpu.memory_space<hbm>> -> memref<16384xi32, #tpu.memory_space<hbm>>
    tpu.enqueue_dma source(%dma_start3A_43 : memref<16384xi32, #tpu.memory_space<hbm>>) target(%dma_start3A_40 : memref<16384xi32, #tpu.memory_space<vmem>>) target_semaphore(%arg11 : memref<!tpu.dma_semaphore, #tpu.memory_space<semaphore_mem>>)
    %broadcast_in_dim3A = arith.constant 0.000000e+00 : f32
    %broadcast_in_dim3A_44 = vector.broadcast %broadcast_in_dim3A : f32 to vector<16xf32>
    %parallel_loop3A = arith.constant 0 : i32
    %parallel_loop3A_45 = arith.constant 1024 : i32
    %parallel_loop3A_46 = arith.constant 16 : i32
    scf.for %parallel_loop3A_209 = %parallel_loop3A to %parallel_loop3A_45 step %parallel_loop3A_46  : i32 {
      %parallel_loop3A_210 = arith.index_cast %parallel_loop3A_209 : i32 to index
      %parallel_loop3A_211 = tpu.vector_load %arg7[%parallel_loop3A_210] {strides = array<i32>} : memref<1024xf32, #tpu.memory_space<vmem>>, vector<16xf32>,
      tpu.vector_store %arg7[%parallel_loop3A_210], %broadcast_in_dim3A_44 {strides = array<i32>} : memref<1024xf32, #tpu.memory_space<vmem>>, vector<16xf32>,
    } {sc.loop_unroll_factor = 4 : i64, sc.parallel_access}
    %dma_wait3A = arith.constant 0 : i32
    %dma_wait3A_47 = tpu.memref_slice %arg4[%dma_wait3A] : memref<32768xi32, #tpu.memory_space<vmem>> -> memref<16384xi32, #tpu.memory_space<vmem>>
    %dma_wait3A_48 = arith.constant 0 : i32
    %dma_wait3A_49 = tpu.memref_slice %arg2[%mul3A_2, %dma_wait3A_48] : memref<64x32768xi32, #tpu.memory_space<hbm>> -> memref<1x16384xi32, #tpu.memory_space<hbm>>
    %dma_wait3A_50 = tpu.memref_squeeze %dma_wait3A_49 : memref<1x16384xi32, #tpu.memory_space<hbm>> -> memref<16384xi32, #tpu.memory_space<hbm>>
    %dma_wait3A_51 = arith.constant 0 : i32
    %dma_wait3A_52 = tpu.memref_slice %arg4[%dma_wait3A_51] : memref<32768xi32, #tpu.memory_space<vmem>> -> memref<16384xi32, #tpu.memory_space<vmem>>
    %dma_wait3A_53 = arith.constant 0 : i32
    %dma_wait3A_54 = tpu.memref_slice %arg2[%mul3A_2, %dma_wait3A_53] : memref<64x32768xi32, #tpu.memory_space<hbm>> -> memref<1x16384xi32, #tpu.memory_space<hbm>>
    %dma_wait3A_55 = tpu.memref_squeeze %dma_wait3A_54 : memref<1x16384xi32, #tpu.memory_space<hbm>> -> memref<16384xi32, #tpu.memory_space<hbm>>
    tpu.wait_dma2 semaphore(%arg8 : memref<!tpu.dma_semaphore, #tpu.memory_space<semaphore_mem>>) src(%dma_wait3A_55 : memref<16384xi32, #tpu.memory_space<hbm>>) dst(%dma_wait3A_52 : memref<16384xi32, #tpu.memory_space<vmem>>)
    %broadcast_in_dim3A_56 = arith.constant 1.000000e+00 : f32
    %broadcast_in_dim3A_57 = vector.broadcast %broadcast_in_dim3A_56 : f32 to vector<16xf32>
    %parallel_loop3A_58 = arith.constant 0 : i32
    %parallel_loop3A_59 = arith.constant 16384 : i32
    %parallel_loop3A_60 = arith.constant 16 : i32
    scf.for %parallel_loop3A_209 = %parallel_loop3A_58 to %parallel_loop3A_59 step %parallel_loop3A_60  : i32 {
      %parallel_loop3A_210 = arith.index_cast %parallel_loop3A_209 : i32 to index
      %parallel_loop3A_211 = tpu.vector_load %arg4[%parallel_loop3A_210] {strides = array<i32>} : memref<32768xi32, #tpu.memory_space<vmem>>, vector<16xi32>,
      tpu.vector_store_idx %arg7[%parallel_loop3A_211], %broadcast_in_dim3A_57 {add = true} : memref<1024xf32, #tpu.memory_space<vmem>>[vector<16xi32>], vector<16xf32>,
    } {sc.loop_unroll_factor = 16 : i64, sc.parallel_access}
    %dma_wait3A_61 = arith.constant 16384 : i32
    %dma_wait3A_62 = tpu.memref_slice %arg4[%dma_wait3A_61] : memref<32768xi32, #tpu.memory_space<vmem>> -> memref<16384xi32, #tpu.memory_space<vmem>>
    %dma_wait3A_63 = arith.constant 16384 : i32
    %dma_wait3A_64 = tpu.memref_slice %arg2[%mul3A_2, %dma_wait3A_63] : memref<64x32768xi32, #tpu.memory_space<hbm>> -> memref<1x16384xi32, #tpu.memory_space<hbm>>
    %dma_wait3A_65 = tpu.memref_squeeze %dma_wait3A_64 : memref<1x16384xi32, #tpu.memory_space<hbm>> -> memref<16384xi32, #tpu.memory_space<hbm>>
    %dma_wait3A_66 = arith.constant 16384 : i32
    %dma_wait3A_67 = tpu.memref_slice %arg4[%dma_wait3A_66] : memref<32768xi32, #tpu.memory_space<vmem>> -> memref<16384xi32, #tpu.memory_space<vmem>>
    %dma_wait3A_68 = arith.constant 16384 : i32
    %dma_wait3A_69 = tpu.memref_slice %arg2[%mul3A_2, %dma_wait3A_68] : memref<64x32768xi32, #tpu.memory_space<hbm>> -> memref<1x16384xi32, #tpu.memory_space<hbm>>
    %dma_wait3A_70 = tpu.memref_squeeze %dma_wait3A_69 : memref<1x16384xi32, #tpu.memory_space<hbm>> -> memref<16384xi32, #tpu.memory_space<hbm>>
    tpu.wait_dma2 semaphore(%arg9 : memref<!tpu.dma_semaphore, #tpu.memory_space<semaphore_mem>>) src(%dma_wait3A_70 : memref<16384xi32, #tpu.memory_space<hbm>>) dst(%dma_wait3A_67 : memref<16384xi32, #tpu.memory_space<vmem>>)
    %broadcast_in_dim3A_71 = arith.constant 1.000000e+00 : f32
    %broadcast_in_dim3A_72 = vector.broadcast %broadcast_in_dim3A_71 : f32 to vector<16xf32>
    %parallel_loop3A_73 = arith.constant 16384 : i32
    %parallel_loop3A_74 = arith.constant 32768 : i32
    %parallel_loop3A_75 = arith.constant 16 : i32
    scf.for %parallel_loop3A_209 = %parallel_loop3A_73 to %parallel_loop3A_74 step %parallel_loop3A_75  : i32 {
      %parallel_loop3A_210 = arith.index_cast %parallel_loop3A_209 : i32 to index
      %parallel_loop3A_211 = tpu.vector_load %arg4[%parallel_loop3A_210] {strides = array<i32>} : memref<32768xi32, #tpu.memory_space<vmem>>, vector<16xi32>,
      tpu.vector_store_idx %arg7[%parallel_loop3A_211], %broadcast_in_dim3A_72 {add = true} : memref<1024xf32, #tpu.memory_space<vmem>>[vector<16xi32>], vector<16xf32>,
    } {sc.loop_unroll_factor = 16 : i64, sc.parallel_access}
    %parallel_loop3A_76 = arith.constant 0 : i32
    %parallel_loop3A_77 = arith.constant 1024 : i32
    %parallel_loop3A_78 = arith.constant 16 : i32
    scf.for %parallel_loop3A_209 = %parallel_loop3A_76 to %parallel_loop3A_77 step %parallel_loop3A_78  : i32 {
      %parallel_loop3A_210 = arith.index_cast %parallel_loop3A_209 : i32 to index
      %parallel_loop3A_211 = tpu.vector_load %arg7[%parallel_loop3A_210] {strides = array<i32>} : memref<1024xf32, #tpu.memory_space<vmem>>, vector<16xf32>,
      %parallel_loop3A_212 = arith.constant 1.000000e+00 : f32
      %parallel_loop3A_213 = vector.broadcast %parallel_loop3A_212 : f32 to vector<16xf32>
      %parallel_loop3A_214 = arith.divf %parallel_loop3A_213, %parallel_loop3A_211 : vector<16xf32>
      %parallel_loop3A_215 = arith.index_cast %parallel_loop3A_209 : i32 to index
      %parallel_loop3A_216 = tpu.vector_load %arg7[%parallel_loop3A_215] {strides = array<i32>} : memref<1024xf32, #tpu.memory_space<vmem>>, vector<16xf32>,
      tpu.vector_store %arg7[%parallel_loop3A_215], %parallel_loop3A_214 {strides = array<i32>} : memref<1024xf32, #tpu.memory_space<vmem>>, vector<16xf32>,
    } {sc.loop_unroll_factor = 4 : i64, sc.parallel_access}
    %parallel_loop3A_79 = arith.constant 0 : i32
    %parallel_loop3A_80 = arith.constant 16384 : i32
    %parallel_loop3A_81 = arith.constant 16 : i32
    scf.for %parallel_loop3A_209 = %parallel_loop3A_79 to %parallel_loop3A_80 step %parallel_loop3A_81  : i32 {
      %parallel_loop3A_210 = arith.index_cast %parallel_loop3A_209 : i32 to index
      %parallel_loop3A_211 = tpu.vector_load %arg4[%parallel_loop3A_210] {strides = array<i32>} : memref<32768xi32, #tpu.memory_space<vmem>>, vector<16xi32>,
      %parallel_loop3A_212 = tpu.vector_load_idx %arg7[%parallel_loop3A_211] : memref<1024xf32, #tpu.memory_space<vmem>>[vector<16xi32>], vector<16xf32>,
      %parallel_loop3A_213 = arith.index_cast %parallel_loop3A_209 : i32 to index
      %parallel_loop3A_214 = tpu.vector_load %arg6[%parallel_loop3A_213] {strides = array<i32>} : memref<32768xf32, #tpu.memory_space<vmem>>, vector<16xf32>,
      tpu.vector_store %arg6[%parallel_loop3A_213], %parallel_loop3A_212 {strides = array<i32>} : memref<32768xf32, #tpu.memory_space<vmem>>, vector<16xf32>,
    } {sc.loop_unroll_factor = 16 : i64, sc.parallel_access}
    %dma_start3A_82 = arith.constant 0 : i32
    %dma_start3A_83 = tpu.memref_slice %arg6[%dma_start3A_82] : memref<32768xf32, #tpu.memory_space<vmem>> -> memref<16384xf32, #tpu.memory_space<vmem>>
    %dma_start3A_84 = arith.constant 0 : i32
    %dma_start3A_85 = tpu.memref_slice %arg3[%mul3A_2, %dma_start3A_84] : memref<64x32768xf32, #tpu.memory_space<hbm>> -> memref<1x16384xf32, #tpu.memory_space<hbm>>
    %dma_start3A_86 = tpu.memref_squeeze %dma_start3A_85 : memref<1x16384xf32, #tpu.memory_space<hbm>> -> memref<16384xf32, #tpu.memory_space<hbm>>
    %dma_start3A_87 = arith.constant 0 : i32
    %dma_start3A_88 = tpu.memref_slice %arg3[%mul3A_2, %dma_start3A_87] : memref<64x32768xf32, #tpu.memory_space<hbm>> -> memref<1x16384xf32, #tpu.memory_space<hbm>>
    %dma_start3A_89 = tpu.memref_squeeze %dma_start3A_88 : memref<1x16384xf32, #tpu.memory_space<hbm>> -> memref<16384xf32, #tpu.memory_space<hbm>>
    %dma_start3A_90 = arith.constant 0 : i32
    %dma_start3A_91 = tpu.memref_slice %arg6[%dma_start3A_90] : memref<32768xf32, #tpu.memory_space<vmem>> -> memref<16384xf32, #tpu.memory_space<vmem>>
    tpu.enqueue_dma source(%dma_start3A_91 : memref<16384xf32, #tpu.memory_space<vmem>>) target(%dma_start3A_89 : memref<16384xf32, #tpu.memory_space<hbm>>) target_semaphore(%arg12 : memref<!tpu.dma_semaphore, #tpu.memory_space<semaphore_mem>>)
    %parallel_loop3A_92 = arith.constant 16384 : i32
    %parallel_loop3A_93 = arith.constant 32768 : i32
    %parallel_loop3A_94 = arith.constant 16 : i32
    scf.for %parallel_loop3A_209 = %parallel_loop3A_92 to %parallel_loop3A_93 step %parallel_loop3A_94  : i32 {
      %parallel_loop3A_210 = arith.index_cast %parallel_loop3A_209 : i32 to index
      %parallel_loop3A_211 = tpu.vector_load %arg4[%parallel_loop3A_210] {strides = array<i32>} : memref<32768xi32, #tpu.memory_space<vmem>>, vector<16xi32>,
      %parallel_loop3A_212 = tpu.vector_load_idx %arg7[%parallel_loop3A_211] : memref<1024xf32, #tpu.memory_space<vmem>>[vector<16xi32>], vector<16xf32>,
      %parallel_loop3A_213 = arith.index_cast %parallel_loop3A_209 : i32 to index
      %parallel_loop3A_214 = tpu.vector_load %arg6[%parallel_loop3A_213] {strides = array<i32>} : memref<32768xf32, #tpu.memory_space<vmem>>, vector<16xf32>,
      tpu.vector_store %arg6[%parallel_loop3A_213], %parallel_loop3A_212 {strides = array<i32>} : memref<32768xf32, #tpu.memory_space<vmem>>, vector<16xf32>,
    } {sc.loop_unroll_factor = 16 : i64, sc.parallel_access}
    %dma_start3A_95 = arith.constant 16384 : i32
    %dma_start3A_96 = tpu.memref_slice %arg6[%dma_start3A_95] : memref<32768xf32, #tpu.memory_space<vmem>> -> memref<16384xf32, #tpu.memory_space<vmem>>
    %dma_start3A_97 = arith.constant 16384 : i32
    %dma_start3A_98 = tpu.memref_slice %arg3[%mul3A_2, %dma_start3A_97] : memref<64x32768xf32, #tpu.memory_space<hbm>> -> memref<1x16384xf32, #tpu.memory_space<hbm>>
    %dma_start3A_99 = tpu.memref_squeeze %dma_start3A_98 : memref<1x16384xf32, #tpu.memory_space<hbm>> -> memref<16384xf32, #tpu.memory_space<hbm>>
    %dma_start3A_100 = arith.constant 16384 : i32
    %dma_start3A_101 = tpu.memref_slice %arg3[%mul3A_2, %dma_start3A_100] : memref<64x32768xf32, #tpu.memory_space<hbm>> -> memref<1x16384xf32, #tpu.memory_space<hbm>>
    %dma_start3A_102 = tpu.memref_squeeze %dma_start3A_101 : memref<1x16384xf32, #tpu.memory_space<hbm>> -> memref<16384xf32, #tpu.memory_space<hbm>>
    %dma_start3A_103 = arith.constant 16384 : i32
    %dma_start3A_104 = tpu.memref_slice %arg6[%dma_start3A_103] : memref<32768xf32, #tpu.memory_space<vmem>> -> memref<16384xf32, #tpu.memory_space<vmem>>
    tpu.enqueue_dma source(%dma_start3A_104 : memref<16384xf32, #tpu.memory_space<vmem>>) target(%dma_start3A_102 : memref<16384xf32, #tpu.memory_space<hbm>>) target_semaphore(%arg12 : memref<!tpu.dma_semaphore, #tpu.memory_space<semaphore_mem>>)
    %broadcast_in_dim3A_105 = arith.constant 0.000000e+00 : f32
    %broadcast_in_dim3A_106 = vector.broadcast %broadcast_in_dim3A_105 : f32 to vector<16xf32>
    %parallel_loop3A_107 = arith.constant 0 : i32
    %parallel_loop3A_108 = arith.constant 1024 : i32
    %parallel_loop3A_109 = arith.constant 16 : i32
    scf.for %parallel_loop3A_209 = %parallel_loop3A_107 to %parallel_loop3A_108 step %parallel_loop3A_109  : i32 {
      %parallel_loop3A_210 = arith.index_cast %parallel_loop3A_209 : i32 to index
      %parallel_loop3A_211 = tpu.vector_load %arg7[%parallel_loop3A_210] {strides = array<i32>} : memref<1024xf32, #tpu.memory_space<vmem>>, vector<16xf32>,
      tpu.vector_store %arg7[%parallel_loop3A_210], %broadcast_in_dim3A_106 {strides = array<i32>} : memref<1024xf32, #tpu.memory_space<vmem>>, vector<16xf32>,
    } {sc.loop_unroll_factor = 4 : i64, sc.parallel_access}
    %dma_wait3A_110 = arith.constant 0 : i32
    %dma_wait3A_111 = tpu.memref_slice %arg5[%dma_wait3A_110] : memref<32768xi32, #tpu.memory_space<vmem>> -> memref<16384xi32, #tpu.memory_space<vmem>>
    %dma_wait3A_112 = arith.constant 0 : i32
    %dma_wait3A_113 = tpu.memref_slice %arg2[%add3A_4, %dma_wait3A_112] : memref<64x32768xi32, #tpu.memory_space<hbm>> -> memref<1x16384xi32, #tpu.memory_space<hbm>>
    %dma_wait3A_114 = tpu.memref_squeeze %dma_wait3A_113 : memref<1x16384xi32, #tpu.memory_space<hbm>> -> memref<16384xi32, #tpu.memory_space<hbm>>
    %dma_wait3A_115 = arith.constant 0 : i32
    %dma_wait3A_116 = tpu.memref_slice %arg5[%dma_wait3A_115] : memref<32768xi32, #tpu.memory_space<vmem>> -> memref<16384xi32, #tpu.memory_space<vmem>>
    %dma_wait3A_117 = arith.constant 0 : i32
    %dma_wait3A_118 = tpu.memref_slice %arg2[%add3A_4, %dma_wait3A_117] : memref<64x32768xi32, #tpu.memory_space<hbm>> -> memref<1x16384xi32, #tpu.memory_space<hbm>>
    %dma_wait3A_119 = tpu.memref_squeeze %dma_wait3A_118 : memref<1x16384xi32, #tpu.memory_space<hbm>> -> memref<16384xi32, #tpu.memory_space<hbm>>
    tpu.wait_dma2 semaphore(%arg10 : memref<!tpu.dma_semaphore, #tpu.memory_space<semaphore_mem>>) src(%dma_wait3A_119 : memref<16384xi32, #tpu.memory_space<hbm>>) dst(%dma_wait3A_116 : memref<16384xi32, #tpu.memory_space<vmem>>)
    %broadcast_in_dim3A_120 = arith.constant 1.000000e+00 : f32
    %broadcast_in_dim3A_121 = vector.broadcast %broadcast_in_dim3A_120 : f32 to vector<16xf32>
    %parallel_loop3A_122 = arith.constant 0 : i32
    %parallel_loop3A_123 = arith.constant 16384 : i32
    %parallel_loop3A_124 = arith.constant 16 : i32
    scf.for %parallel_loop3A_209 = %parallel_loop3A_122 to %parallel_loop3A_123 step %parallel_loop3A_124  : i32 {
      %parallel_loop3A_210 = arith.index_cast %parallel_loop3A_209 : i32 to index
      %parallel_loop3A_211 = tpu.vector_load %arg5[%parallel_loop3A_210] {strides = array<i32>} : memref<32768xi32, #tpu.memory_space<vmem>>, vector<16xi32>,
      tpu.vector_store_idx %arg7[%parallel_loop3A_211], %broadcast_in_dim3A_121 {add = true} : memref<1024xf32, #tpu.memory_space<vmem>>[vector<16xi32>], vector<16xf32>,
    } {sc.loop_unroll_factor = 16 : i64, sc.parallel_access}
    %dma_wait3A_125 = arith.constant 16384 : i32
    %dma_wait3A_126 = tpu.memref_slice %arg5[%dma_wait3A_125] : memref<32768xi32, #tpu.memory_space<vmem>> -> memref<16384xi32, #tpu.memory_space<vmem>>
    %dma_wait3A_127 = arith.constant 16384 : i32
    %dma_wait3A_128 = tpu.memref_slice %arg2[%add3A_4, %dma_wait3A_127] : memref<64x32768xi32, #tpu.memory_space<hbm>> -> memref<1x16384xi32, #tpu.memory_space<hbm>>
    %dma_wait3A_129 = tpu.memref_squeeze %dma_wait3A_128 : memref<1x16384xi32, #tpu.memory_space<hbm>> -> memref<16384xi32, #tpu.memory_space<hbm>>
    %dma_wait3A_130 = arith.constant 16384 : i32
    %dma_wait3A_131 = tpu.memref_slice %arg5[%dma_wait3A_130] : memref<32768xi32, #tpu.memory_space<vmem>> -> memref<16384xi32, #tpu.memory_space<vmem>>
    %dma_wait3A_132 = arith.constant 16384 : i32
    %dma_wait3A_133 = tpu.memref_slice %arg2[%add3A_4, %dma_wait3A_132] : memref<64x32768xi32, #tpu.memory_space<hbm>> -> memref<1x16384xi32, #tpu.memory_space<hbm>>
    %dma_wait3A_134 = tpu.memref_squeeze %dma_wait3A_133 : memref<1x16384xi32, #tpu.memory_space<hbm>> -> memref<16384xi32, #tpu.memory_space<hbm>>
    tpu.wait_dma2 semaphore(%arg11 : memref<!tpu.dma_semaphore, #tpu.memory_space<semaphore_mem>>) src(%dma_wait3A_134 : memref<16384xi32, #tpu.memory_space<hbm>>) dst(%dma_wait3A_131 : memref<16384xi32, #tpu.memory_space<vmem>>)
    %broadcast_in_dim3A_135 = arith.constant 1.000000e+00 : f32
    %broadcast_in_dim3A_136 = vector.broadcast %broadcast_in_dim3A_135 : f32 to vector<16xf32>
    %parallel_loop3A_137 = arith.constant 16384 : i32
    %parallel_loop3A_138 = arith.constant 32768 : i32
    %parallel_loop3A_139 = arith.constant 16 : i32
    scf.for %parallel_loop3A_209 = %parallel_loop3A_137 to %parallel_loop3A_138 step %parallel_loop3A_139  : i32 {
      %parallel_loop3A_210 = arith.index_cast %parallel_loop3A_209 : i32 to index
      %parallel_loop3A_211 = tpu.vector_load %arg5[%parallel_loop3A_210] {strides = array<i32>} : memref<32768xi32, #tpu.memory_space<vmem>>, vector<16xi32>,
      tpu.vector_store_idx %arg7[%parallel_loop3A_211], %broadcast_in_dim3A_136 {add = true} : memref<1024xf32, #tpu.memory_space<vmem>>[vector<16xi32>], vector<16xf32>,
    } {sc.loop_unroll_factor = 16 : i64, sc.parallel_access}
    %parallel_loop3A_140 = arith.constant 0 : i32
    %parallel_loop3A_141 = arith.constant 1024 : i32
    %parallel_loop3A_142 = arith.constant 16 : i32
    scf.for %parallel_loop3A_209 = %parallel_loop3A_140 to %parallel_loop3A_141 step %parallel_loop3A_142  : i32 {
      %parallel_loop3A_210 = arith.index_cast %parallel_loop3A_209 : i32 to index
      %parallel_loop3A_211 = tpu.vector_load %arg7[%parallel_loop3A_210] {strides = array<i32>} : memref<1024xf32, #tpu.memory_space<vmem>>, vector<16xf32>,
      %parallel_loop3A_212 = arith.constant 1.000000e+00 : f32
      %parallel_loop3A_213 = vector.broadcast %parallel_loop3A_212 : f32 to vector<16xf32>
      %parallel_loop3A_214 = arith.divf %parallel_loop3A_213, %parallel_loop3A_211 : vector<16xf32>
      %parallel_loop3A_215 = arith.index_cast %parallel_loop3A_209 : i32 to index
      %parallel_loop3A_216 = tpu.vector_load %arg7[%parallel_loop3A_215] {strides = array<i32>} : memref<1024xf32, #tpu.memory_space<vmem>>, vector<16xf32>,
      tpu.vector_store %arg7[%parallel_loop3A_215], %parallel_loop3A_214 {strides = array<i32>} : memref<1024xf32, #tpu.memory_space<vmem>>, vector<16xf32>,
    } {sc.loop_unroll_factor = 4 : i64, sc.parallel_access}
    %dma_wait3A_143 = arith.constant 0 : i32
    %dma_wait3A_144 = tpu.memref_slice %arg6[%dma_wait3A_143] : memref<32768xf32, #tpu.memory_space<vmem>> -> memref<16384xf32, #tpu.memory_space<vmem>>
    %dma_wait3A_145 = arith.constant 0 : i32
    %dma_wait3A_146 = tpu.memref_slice %arg3[%mul3A_2, %dma_wait3A_145] : memref<64x32768xf32, #tpu.memory_space<hbm>> -> memref<1x16384xf32, #tpu.memory_space<hbm>>
    %dma_wait3A_147 = tpu.memref_squeeze %dma_wait3A_146 : memref<1x16384xf32, #tpu.memory_space<hbm>> -> memref<16384xf32, #tpu.memory_space<hbm>>
    %dma_wait3A_148 = arith.constant 0 : i32
    %dma_wait3A_149 = tpu.memref_slice %arg3[%mul3A_2, %dma_wait3A_148] : memref<64x32768xf32, #tpu.memory_space<hbm>> -> memref<1x16384xf32, #tpu.memory_space<hbm>>
    %dma_wait3A_150 = tpu.memref_squeeze %dma_wait3A_149 : memref<1x16384xf32, #tpu.memory_space<hbm>> -> memref<16384xf32, #tpu.memory_space<hbm>>
    %dma_wait3A_151 = arith.constant 0 : i32
    %dma_wait3A_152 = tpu.memref_slice %arg6[%dma_wait3A_151] : memref<32768xf32, #tpu.memory_space<vmem>> -> memref<16384xf32, #tpu.memory_space<vmem>>
    tpu.wait_dma2 semaphore(%arg12 : memref<!tpu.dma_semaphore, #tpu.memory_space<semaphore_mem>>) src(%dma_wait3A_152 : memref<16384xf32, #tpu.memory_space<vmem>>) dst(%dma_wait3A_150 : memref<16384xf32, #tpu.memory_space<hbm>>)
    %dma_wait3A_153 = arith.constant 16384 : i32
    %dma_wait3A_154 = tpu.memref_slice %arg6[%dma_wait3A_153] : memref<32768xf32, #tpu.memory_space<vmem>> -> memref<16384xf32, #tpu.memory_space<vmem>>
    %dma_wait3A_155 = arith.constant 16384 : i32
    %dma_wait3A_156 = tpu.memref_slice %arg3[%mul3A_2, %dma_wait3A_155] : memref<64x32768xf32, #tpu.memory_space<hbm>> -> memref<1x16384xf32, #tpu.memory_space<hbm>>
    %dma_wait3A_157 = tpu.memref_squeeze %dma_wait3A_156 : memref<1x16384xf32, #tpu.memory_space<hbm>> -> memref<16384xf32, #tpu.memory_space<hbm>>
    %dma_wait3A_158 = arith.constant 16384 : i32
    %dma_wait3A_159 = tpu.memref_slice %arg3[%mul3A_2, %dma_wait3A_158] : memref<64x32768xf32, #tpu.memory_space<hbm>> -> memref<1x16384xf32, #tpu.memory_space<hbm>>
    %dma_wait3A_160 = tpu.memref_squeeze %dma_wait3A_159 : memref<1x16384xf32, #tpu.memory_space<hbm>> -> memref<16384xf32, #tpu.memory_space<hbm>>
    %dma_wait3A_161 = arith.constant 16384 : i32
    %dma_wait3A_162 = tpu.memref_slice %arg6[%dma_wait3A_161] : memref<32768xf32, #tpu.memory_space<vmem>> -> memref<16384xf32, #tpu.memory_space<vmem>>
    tpu.wait_dma2 semaphore(%arg12 : memref<!tpu.dma_semaphore, #tpu.memory_space<semaphore_mem>>) src(%dma_wait3A_162 : memref<16384xf32, #tpu.memory_space<vmem>>) dst(%dma_wait3A_160 : memref<16384xf32, #tpu.memory_space<hbm>>)
    %parallel_loop3A_163 = arith.constant 0 : i32
    %parallel_loop3A_164 = arith.constant 16384 : i32
    %parallel_loop3A_165 = arith.constant 16 : i32
    scf.for %parallel_loop3A_209 = %parallel_loop3A_163 to %parallel_loop3A_164 step %parallel_loop3A_165  : i32 {
      %parallel_loop3A_210 = arith.index_cast %parallel_loop3A_209 : i32 to index
      %parallel_loop3A_211 = tpu.vector_load %arg5[%parallel_loop3A_210] {strides = array<i32>} : memref<32768xi32, #tpu.memory_space<vmem>>, vector<16xi32>,
      %parallel_loop3A_212 = tpu.vector_load_idx %arg7[%parallel_loop3A_211] : memref<1024xf32, #tpu.memory_space<vmem>>[vector<16xi32>], vector<16xf32>,
      %parallel_loop3A_213 = arith.index_cast %parallel_loop3A_209 : i32 to index
      %parallel_loop3A_214 = tpu.vector_load %arg6[%parallel_loop3A_213] {strides = array<i32>} : memref<32768xf32, #tpu.memory_space<vmem>>, vector<16xf32>,
      tpu.vector_store %arg6[%parallel_loop3A_213], %parallel_loop3A_212 {strides = array<i32>} : memref<32768xf32, #tpu.memory_space<vmem>>, vector<16xf32>,
    } {sc.loop_unroll_factor = 16 : i64, sc.parallel_access}
    %dma_start3A_166 = arith.constant 0 : i32
    %dma_start3A_167 = tpu.memref_slice %arg6[%dma_start3A_166] : memref<32768xf32, #tpu.memory_space<vmem>> -> memref<16384xf32, #tpu.memory_space<vmem>>
    %dma_start3A_168 = arith.constant 0 : i32
    %dma_start3A_169 = tpu.memref_slice %arg3[%add3A_4, %dma_start3A_168] : memref<64x32768xf32, #tpu.memory_space<hbm>> -> memref<1x16384xf32, #tpu.memory_space<hbm>>
    %dma_start3A_170 = tpu.memref_squeeze %dma_start3A_169 : memref<1x16384xf32, #tpu.memory_space<hbm>> -> memref<16384xf32, #tpu.memory_space<hbm>>
    %dma_start3A_171 = arith.constant 0 : i32
    %dma_start3A_172 = tpu.memref_slice %arg3[%add3A_4, %dma_start3A_171] : memref<64x32768xf32, #tpu.memory_space<hbm>> -> memref<1x16384xf32, #tpu.memory_space<hbm>>
    %dma_start3A_173 = tpu.memref_squeeze %dma_start3A_172 : memref<1x16384xf32, #tpu.memory_space<hbm>> -> memref<16384xf32, #tpu.memory_space<hbm>>
    %dma_start3A_174 = arith.constant 0 : i32
    %dma_start3A_175 = tpu.memref_slice %arg6[%dma_start3A_174] : memref<32768xf32, #tpu.memory_space<vmem>> -> memref<16384xf32, #tpu.memory_space<vmem>>
    tpu.enqueue_dma source(%dma_start3A_175 : memref<16384xf32, #tpu.memory_space<vmem>>) target(%dma_start3A_173 : memref<16384xf32, #tpu.memory_space<hbm>>) target_semaphore(%arg13 : memref<!tpu.dma_semaphore, #tpu.memory_space<semaphore_mem>>)
    %parallel_loop3A_176 = arith.constant 16384 : i32
    %parallel_loop3A_177 = arith.constant 32768 : i32
    %parallel_loop3A_178 = arith.constant 16 : i32
    scf.for %parallel_loop3A_209 = %parallel_loop3A_176 to %parallel_loop3A_177 step %parallel_loop3A_178  : i32 {
      %parallel_loop3A_210 = arith.index_cast %parallel_loop3A_209 : i32 to index
      %parallel_loop3A_211 = tpu.vector_load %arg5[%parallel_loop3A_210] {strides = array<i32>} : memref<32768xi32, #tpu.memory_space<vmem>>, vector<16xi32>,
      %parallel_loop3A_212 = tpu.vector_load_idx %arg7[%parallel_loop3A_211] : memref<1024xf32, #tpu.memory_space<vmem>>[vector<16xi32>], vector<16xf32>,
      %parallel_loop3A_213 = arith.index_cast %parallel_loop3A_209 : i32 to index
      %parallel_loop3A_214 = tpu.vector_load %arg6[%parallel_loop3A_213] {strides = array<i32>} : memref<32768xf32, #tpu.memory_space<vmem>>, vector<16xf32>,
      tpu.vector_store %arg6[%parallel_loop3A_213], %parallel_loop3A_212 {strides = array<i32>} : memref<32768xf32, #tpu.memory_space<vmem>>, vector<16xf32>,
    } {sc.loop_unroll_factor = 16 : i64, sc.parallel_access}
    %dma_start3A_179 = arith.constant 16384 : i32
    %dma_start3A_180 = tpu.memref_slice %arg6[%dma_start3A_179] : memref<32768xf32, #tpu.memory_space<vmem>> -> memref<16384xf32, #tpu.memory_space<vmem>>
    %dma_start3A_181 = arith.constant 16384 : i32
    %dma_start3A_182 = tpu.memref_slice %arg3[%add3A_4, %dma_start3A_181] : memref<64x32768xf32, #tpu.memory_space<hbm>> -> memref<1x16384xf32, #tpu.memory_space<hbm>>
    %dma_start3A_183 = tpu.memref_squeeze %dma_start3A_182 : memref<1x16384xf32, #tpu.memory_space<hbm>> -> memref<16384xf32, #tpu.memory_space<hbm>>
    %dma_start3A_184 = arith.constant 16384 : i32
    %dma_start3A_185 = tpu.memref_slice %arg3[%add3A_4, %dma_start3A_184] : memref<64x32768xf32, #tpu.memory_space<hbm>> -> memref<1x16384xf32, #tpu.memory_space<hbm>>
    %dma_start3A_186 = tpu.memref_squeeze %dma_start3A_185 : memref<1x16384xf32, #tpu.memory_space<hbm>> -> memref<16384xf32, #tpu.memory_space<hbm>>
    %dma_start3A_187 = arith.constant 16384 : i32
    %dma_start3A_188 = tpu.memref_slice %arg6[%dma_start3A_187] : memref<32768xf32, #tpu.memory_space<vmem>> -> memref<16384xf32, #tpu.memory_space<vmem>>
    tpu.enqueue_dma source(%dma_start3A_188 : memref<16384xf32, #tpu.memory_space<vmem>>) target(%dma_start3A_186 : memref<16384xf32, #tpu.memory_space<hbm>>) target_semaphore(%arg13 : memref<!tpu.dma_semaphore, #tpu.memory_space<semaphore_mem>>)
    %dma_wait3A_189 = arith.constant 0 : i32
    %dma_wait3A_190 = tpu.memref_slice %arg6[%dma_wait3A_189] : memref<32768xf32, #tpu.memory_space<vmem>> -> memref<16384xf32, #tpu.memory_space<vmem>>
    %dma_wait3A_191 = arith.constant 0 : i32
    %dma_wait3A_192 = tpu.memref_slice %arg3[%add3A_4, %dma_wait3A_191] : memref<64x32768xf32, #tpu.memory_space<hbm>> -> memref<1x16384xf32, #tpu.memory_space<hbm>>
    %dma_wait3A_193 = tpu.memref_squeeze %dma_wait3A_192 : memref<1x16384xf32, #tpu.memory_space<hbm>> -> memref<16384xf32, #tpu.memory_space<hbm>>
    %dma_wait3A_194 = arith.constant 0 : i32
    %dma_wait3A_195 = tpu.memref_slice %arg3[%add3A_4, %dma_wait3A_194] : memref<64x32768xf32, #tpu.memory_space<hbm>> -> memref<1x16384xf32, #tpu.memory_space<hbm>>
    %dma_wait3A_196 = tpu.memref_squeeze %dma_wait3A_195 : memref<1x16384xf32, #tpu.memory_space<hbm>> -> memref<16384xf32, #tpu.memory_space<hbm>>
    %dma_wait3A_197 = arith.constant 0 : i32
    %dma_wait3A_198 = tpu.memref_slice %arg6[%dma_wait3A_197] : memref<32768xf32, #tpu.memory_space<vmem>> -> memref<16384xf32, #tpu.memory_space<vmem>>
    tpu.wait_dma2 semaphore(%arg13 : memref<!tpu.dma_semaphore, #tpu.memory_space<semaphore_mem>>) src(%dma_wait3A_198 : memref<16384xf32, #tpu.memory_space<vmem>>) dst(%dma_wait3A_196 : memref<16384xf32, #tpu.memory_space<hbm>>)
    %dma_wait3A_199 = arith.constant 16384 : i32
    %dma_wait3A_200 = tpu.memref_slice %arg6[%dma_wait3A_199] : memref<32768xf32, #tpu.memory_space<vmem>> -> memref<16384xf32, #tpu.memory_space<vmem>>
    %dma_wait3A_201 = arith.constant 16384 : i32
    %dma_wait3A_202 = tpu.memref_slice %arg3[%add3A_4, %dma_wait3A_201] : memref<64x32768xf32, #tpu.memory_space<hbm>> -> memref<1x16384xf32, #tpu.memory_space<hbm>>
    %dma_wait3A_203 = tpu.memref_squeeze %dma_wait3A_202 : memref<1x16384xf32, #tpu.memory_space<hbm>> -> memref<16384xf32, #tpu.memory_space<hbm>>
    %dma_wait3A_204 = arith.constant 16384 : i32
    %dma_wait3A_205 = tpu.memref_slice %arg3[%add3A_4, %dma_wait3A_204] : memref<64x32768xf32, #tpu.memory_space<hbm>> -> memref<1x16384xf32, #tpu.memory_space<hbm>>
    %dma_wait3A_206 = tpu.memref_squeeze %dma_wait3A_205 : memref<1x16384xf32, #tpu.memory_space<hbm>> -> memref<16384xf32, #tpu.memory_space<hbm>>
    %dma_wait3A_207 = arith.constant 16384 : i32
    %dma_wait3A_208 = tpu.memref_slice %arg6[%dma_wait3A_207] : memref<32768xf32, #tpu.memory_space<vmem>> -> memref<16384xf32, #tpu.memory_space<vmem>>
    tpu.wait_dma2 semaphore(%arg13 : memref<!tpu.dma_semaphore, #tpu.memory_space<semaphore_mem>>) src(%dma_wait3A_208 : memref<16384xf32, #tpu.memory_space<vmem>>) dst(%dma_wait3A_206 : memref<16384xf32, #tpu.memory_space<hbm>>)
    return
  }
}

</mosaic_0001>

<sc_bundles>
// kernel: kernel.3.cloned.1.call-start
scs
__scs_entry_jumppad:
0x0: {  	(pc) =	sbr.rel $0x88, $3  }
0x1: {  	(tag) =	ssettag $0x0;
	lr =	simm.s32 $0x1  }
0x2: {  	[smem:$0x3FA0] =	sst lr;
	_ =	strace $0xD0000000  }
0x3: {  	_ = 	snop  }
0x4: {  	_ = 	snop  }
0x5: {  	_ = 	snop  }
0x6: {  	_ = 	snop  }
0x7: {  	_ = 	snop  }
__scs_overlays_trampoline_lowered:
0x8: {  	[smem:$0x3FAF] =	sst s0  }
0x9: {  	[smem:$0x3FB0] =	sst s1  }
0xa: {  	[smem:$0x3FB1] =	sst s2  }
0xb: {  	[smem:$0x3FB2] =	sst s3  }
0xc: {  	[smem:$0x3FB3] =	sst s4  }
0xd: {  	[smem:$0x3FB4] =	sst s5  }
0xe: {  	[smem:$0x3FB5] =	sst s6  }
0xf: {  	[smem:$0x3FB6] =	sst s7  }
0x10: {  	[smem:$0x3FB7] =	sst s8  }
0x11: {  	[smem:$0x3FB8] =	sst s9;
	s0 =	simm.s32 @!p0 $0x0  }
0x12: {  	s1 =	sld [smem:$0x3F9E];
	s0 =	simm.s32 @p0 $0x1  }
0x13: {  	[smem:$0x3FB9] =	sst s0;
	s0 =	simm.s32 @!p1 $0x0  }
0x14: {  	s2 =	sld [smem:$0x3F9D];
	s0 =	simm.s32 @p1 $0x1  }
0x15: {  	[smem:$0x3FBA] =	sst s0;
	s0 =	simm.s32 @!p2 $0x0  }
0x16: {  	s3 =	sld [smem:$0x3FDB];
	s0 =	simm.s32 @p2 $0x1  }
0x17: {  	s4 =	simm.s32 $0x1BF5;
	[smem:$0x3FBC] =	sst s0  }
0x18: {  	s0 =	sld [smem:$0x3F9F];
	_ =	swait.ge [sflag:s4], $0x0  }
0x19: {  	s7 =	sld [smem:$0x3FA0]  }
0x1a: {  	s8 =	sadd.s32 $0xFFFFE003, lr  }
0x1b: {  	s9 =	sadd.s32 $0xFFFFFEF7, lr;
	s5 =	simm.s32 $0xFFFFFFFF;
	p2 =	slt.u32 s8, $0xFFFFF086  }
0x1c: {  	p1 =	slt.u32 s9, $0xF7A;
	s5 =	simm.s32 @!p2 $0x0  }
0x1d: {  	s5 =	simm.s32 @p1 $0x1;
	p0 =	seq.s32 s7, s2  }
0x1e: {  	s7 =	smul.u32 @!p0 $0xF7A, s2;
	p2 =	seq.s32 @!p0 s5, $0x0  }
0x1f: {  	s9 =	smul.u32 $0xF7A, s1;
	s8 =	simm.s32 @!p0 $0x1BF5;
	p2 =	por !p2, p0  }
0x20: {  	[sflag:s8] =	ssyncset.s32 @!p0 $0xFFFFF086;
	s6 =	sadd.s32 @!p0 s3, s7;
	s7 =	simm.s32 @!p0 $0x108  }
0x21: {  	s3 =	sadd.s32 s3, s9;
	s6 =	sadd.s32 @!p0 $0x88, s6;
	s7 =	simm.s32 @p2 $0x1082  }
0x22: {  	[simem:s7], [sflag:s8] =	dma.local @!p0 [hbm:s6], $0xF7A  }
0x23: {  	s9 =	sor.u32 $0xD0000000, s2;
	s6 =	simm.s32 $0x108;
	_ =	swait.ge @!p0 [sflag:s8], $0x0  }
0x24: {  	s3 =	sadd.s32 $0x88, s3;
	s6 =	simm.s32 @!p1 $0x1082;
	[sflag:s4] =	ssyncset.s32 $0xFFFFF086  }
0x25: {  	[simem:s6], [sflag:s4] =	dma.local [hbm:s3], $0xF7A  }
0x26: {  	[smem:$0x3FA0] =	sst s1;
	(tag) =	ssettag s2;
	_ =	strace s9  }
0x27: {  	s1 =	sld [smem:$0x3FB0]  }
0x28: {  	s2 =	sld [smem:$0x3FB1]  }
0x29: {  	s4 =	sld [smem:$0x3FB3]  }
0x2a: {  	p0 =	seq.s32 s5, $0x0;
	s5 =	sld [smem:$0x3FB4]  }
0x2b: {  	s6 =	sld [smem:$0x3FB5]  }
0x2c: {  	s7 =	sld [smem:$0x3FB6]  }
0x2d: {  	s3 =	simm.s32 $0x108;
	s8 =	sld [smem:$0x3FB7]  }
0x2e: {  	s3 =	simm.s32 @!p0 $0x1082;
	s9 =	sld [smem:$0x3FB8]  }
0x2f: {  	lr =	sadd.s32 s0, s3;
	s0 =	sld [smem:$0x3FAF]  }
0x30: {  	s3 =	sld [smem:$0x3FB2]  }
0x31: {  	[smem:$0x3FBB] =	sst s10  }
0x32: {  	s10 =	sld [smem:$0x3FB9];
	_ =	sdelay $0x3  }
0x33: {  	p0 =	seq.s32 s10, $0x1;
	s10 =	sld [smem:$0x3FBB];
	_ =	sdelay $0x3  }
0x34: {  	[smem:$0x3FBB] =	sst s10  }
0x35: {  	s10 =	sld [smem:$0x3FBA];
	_ =	sdelay $0x3  }
0x36: {  	p1 =	seq.s32 s10, $0x1;
	s10 =	sld [smem:$0x3FBB];
	_ =	sdelay $0x3  }
0x37: {  	[smem:$0x3FBB] =	sst s10  }
0x38: {  	s10 =	sld [smem:$0x3FBC]  }
0x39: {  	_ = 	snop;
	(pc) =	sbr.ind lr, $3  }
0x3a: {  	_ = 	snop  }
0x3b: {  	_ = 	snop  }
0x3c: {  	p2 =	seq.s32 s10, $0x1;
	s10 =	sld [smem:$0x3FBB]  }
0x3d: {  	_ =	shalt  }
0x3e: {  	_ =	shalt  }
0x3f: {  	_ =	shalt  }
0x40: {  	_ =	shalt  }
0x41: {  	_ =	shalt  }
0x42: {  	_ =	shalt  }
0x43: {  	_ =	shalt  }
0x44: {  	_ =	shalt  }
0x45: {  	_ =	shalt  }
0x46: {  	_ =	shalt  }
0x47: {  	_ =	shalt  }
0x48: {  	_ =	shalt  }
0x49: {  	_ =	shalt  }
0x4a: {  	_ =	shalt  }
0x4b: {  	_ =	shalt  }
0x4c: {  	_ =	shalt  }
0x4d: {  	_ =	shalt  }
0x4e: {  	_ =	shalt  }
0x4f: {  	_ =	shalt  }
0x50: {  	_ =	shalt  }
0x51: {  	_ =	shalt  }
0x52: {  	_ =	shalt  }
0x53: {  	_ =	shalt  }
0x54: {  	_ =	shalt  }
0x55: {  	_ =	shalt  }
0x56: {  	_ =	shalt  }
0x57: {  	_ =	shalt  }
0x58: {  	_ =	shalt  }
0x59: {  	_ =	shalt  }
0x5a: {  	_ =	shalt  }
0x5b: {  	_ =	shalt  }
0x5c: {  	_ =	shalt  }
0x5d: {  	_ =	shalt  }
0x5e: {  	_ =	shalt  }
0x5f: {  	_ =	shalt  }
0x60: {  	_ =	shalt  }
0x61: {  	_ =	shalt  }
0x62: {  	_ =	shalt  }
0x63: {  	_ =	shalt  }
0x64: {  	_ =	shalt  }
0x65: {  	_ =	shalt  }
0x66: {  	_ =	shalt  }
0x67: {  	_ =	shalt  }
0x68: {  	_ =	shalt  }
0x69: {  	_ =	shalt  }
0x6a: {  	_ =	shalt  }
0x6b: {  	_ =	shalt  }
0x6c: {  	_ =	shalt  }
0x6d: {  	_ =	shalt  }
0x6e: {  	_ =	shalt  }
0x6f: {  	_ =	shalt  }
0x70: {  	_ =	shalt  }
0x71: {  	_ =	shalt  }
0x72: {  	_ =	shalt  }
0x73: {  	_ =	shalt  }
0x74: {  	_ =	shalt  }
0x75: {  	_ =	shalt  }
0x76: {  	_ =	shalt  }
0x77: {  	_ =	shalt  }
0x78: {  	_ =	shalt  }
0x79: {  	_ =	shalt  }
0x7a: {  	_ =	shalt  }
0x7b: {  	_ =	shalt  }
0x7c: {  	_ =	shalt  }
0x7d: {  	_ =	shalt  }
0x7e: {  	_ =	shalt  }
0x7f: {  	_ =	shalt  }
0x80: {  	_ =	shalt  }
0x81: {  	_ =	shalt  }
0x82: {  	_ =	shalt  }
0x83: {  	_ =	shalt  }
0x84: {  	_ =	shalt  }
0x85: {  	_ =	shalt  }
0x86: {  	_ =	shalt  }
0x87: {  	_ =	shalt  }
.Lfunc_end0:
.L_simem_size_0:
called_computation_lowered:
.L_overlay_start_0:
0x88: {  	s2 =	sld [smem:$0x3FD9]  }
0x89: {  	s3 =	sld [smem:$0x3FFE];
	_ =	sdelay $0x1  }
0x8a: {  	s1 =	srdreg.scid  }
0x8b: {  	s0 =	sand.u32 $0x1, s1  }
0x8c: {  	s18 =	sshll.u32 s0, $0xA;
	s2 =	sadd.s32 s3, s2  }
0x8d: {  	s2 =	sadd.s32 s2, s18  }
0x8e: {  	[smem:$0x3FC7] =	sst s2  }
0x8f: {  	_ = 	snop  }
0x90: {  	s2 =	sld [smem:$0x3FC9]  }
0x91: {  	s19 =	sld [smem:$0x3FD0];
	(tm) =	ssettm $0x1  }
0x92: {  	s4 =	sld [smem:$0x3FFB];
	_ =	sdelay $0x3  }
0x93: {  	_ =	strace s4  }
0x94: {  	s4 =	sld [smem:$0x3FFC];
	_ =	sdelay $0x3  }
0x95: {  	_ =	strace s4  }
0x96: {  	s4 =	sld [smem:$0x3FFD];
	_ =	sdelay $0x3  }
0x97: {  	_ =	strace s4  }
0x98: {  	_ =	strace $0x8FFFFFFF  }
0x99: {  	s20 =	sld [smem:$0x3FDB];
	_ =	sdelay $0x1  }
0x9a: {  	s5 =	simm.s32 $_scs_section_size  }
0x9b: {  	s6 =	simm.s32 $_size__tile_overlayer_lowered;
	s7 =	simm.s32 $_tile_overlayer_lowered  }
0x9c: {  	s23 =	simm.s32 $0x1BFF;
	s22 =	sshll.u32 s7, $0x1;
	s4 =	sadd.s32 s5, s20  }
0x9d: {  	s8 =	simm.s32 $0x0;
	s21 =	sshll.u32 s6, $0x1;
	s6 =	sadd.s32 s22, s4  }
0x9e: {  	[timem:s8], [sflag:s23] =	dma.local [hbm:s6], s21  }
0x9f: {  	_ =	swait.ge [sflag:s23], s21  }
0xa0: {  	s5 =	ssub.s32 $0x0, s21;
	[sflag:s23] =	ssyncset.done $0x0  }
0xa1: {  	[sflag:s23] =	ssyncadd.s32 s5;
	_ =	sdelay $0x1  }
0xa2: {  	s24 =	simm.s32 $0x1B8B  }
0xa3: {  	_ =	swait.ge [sflag:s24], $0x1  }
0xa4: {  	[sflag:s24] =	ssyncset.done $0x0  }
0xa5: {  	s25 =	simm.s32 $0x1B8E;
	[sflag:s24] =	ssyncadd.s32 $0xFFFFFFFF  }
0xa6: {  	s26 =	simm.s32 $execute0_lowered;
	[smem:$0x3FD2] =	sst s25  }
0xa7: {  	s5 =	sshll.u32 s26, $0x1;
	_ =	strace $0x80000046;
	[dreg:$0x1] =	wrdreg $0xFFFFFFFF  }
0xa8: {  	s28 =	simm.s32 $_size_execute0_lowered;
	s4 =	sadd.s32 s4, s5;
	[dreg:$0x0] =	wrdreg $0x0  }
0xa9: {  	s5 =	sshll.u32 s28, $0x1;
	[dreg:$0x2] =	wrdreg s4  }
0xaa: {  	[dreg:$0x3] =	wrdreg s5  }
0xab: {  	[dreg:$0x4] =	wrdreg $0xC0  }
0xac: {  	_ =	task [dreg:s8], $0x5FFFF  }
0xad: {  	[dreg:$0x1] =	wrdreg $0xFFFFFFFF  }
0xae: {  	[dreg:$0x0] =	wrdreg $0x60  }
0xaf: {  	[dreg:$0x2] =	wrdreg s2  }
0xb0: {  	[dreg:$0x3] =	wrdreg s19  }
0xb1: {  	[dreg:$0x4] =	wrdreg $0x9  }
0xb2: {  	_ =	task.clear_ibuf [dreg:s8], $0x5FFFF;
	_ =	strace $0x90000046  }
0xb3: {  	s29 =	simm.s32 $0x9;
	_ =	strace $0x80000048  }
0xb4: {  	_ =	swait.ge [sflag:s29], $0x1  }
0xb5: {  	[sflag:s29] =	ssyncadd.s32 $0xFFFFFFFF  }
0xb6: {  	_ =	strace $0x90000048  }
0xb7: {  	_ =	sfence  }
0xb8: {  	s30 =	sld [smem:$0x0];
	_ =	sdelay $0x2  }
0xb9: {  	s31 =	sshll.u32 s1, $0xD;
	s1 =	sshrl.u32 s1, $0x2  }
0xba: {  	s3 =	sand.u32 $0x4000, s31;
	s1 =	sadd.s32 s1, s30  }
0xbb: {  	s0 =	sor.u32 s3, s0;
	s1 =	sshll.u32 s1, $0x11  }
0xbc: {  	s0 =	sor.u32 s1, s0  }
0xbd: {  	s0 =	sadd.s32 $0x8F2B, s0  }
0xbe: {  	[sflag:s0] =	ssyncadd.remote.s32 $0x1  }
0xbf: {  	_ =	sfence.sel $0xFFFF  }
0xc0: {  	[dreg:$0x0] =	wrdreg $0xFFFFFFFF;
	(pc) =	sbr.abs _section_cstart, $3  }
0xc1: {  	[dreg:$0x1] =	wrdreg $0xFFFFFFFF  }
0xc2: {  	_ =	task.clear_ibuf [dreg:s8], $0x2FFFF;
	_ =	strace $0x9FFFFFFF  }
0xc3: {  	(tm) =	ssettm $0x7FFFFFFF  }
tec
execute0_lowered:
.L_overlay_start_1:
0x0: {  	(tag) =	ssettag $0x1  }
0x1: {  	s0 =	rddreg [dreg:$0x0]  }
0x2: {  	s1 =	rddreg [dreg:$0x1];
	s3 =	srdreg.scid  }
0x3: {  	s2 =	simm.s32 $0x0;
	s6 =	stileid.u32;
	s12 =	simm.s32 $0x80  }
0x4: {  	s13 =	simm.s32 $0x400;
	s14 =	simm.s32 $0x4000;
	s15 =	simm.s32 $0x8000  }
0x5: {  	s16 =	simm.s32 $0xC000;
	s17 =	simm.s32 $0x1;
	s18 =	simm.s32 $0x18000  }
0x6: {  	s19 =	simm.s32 $0x2;
	s20 =	simm.s32 $0x10000;
	s21 =	simm.s32 $0x14000  }
0x7: {  	s22 =	simm.s32 $0x3;
	s23 =	simm.s32 $0x4;
	s24 =	simm.s32 $0x5  }
0x8: {  	s25 =	simm.s32 $0x6;
	s26 =	simm.s32 $0x0;
	s3 =	sand.u32 $0x1, s3  }
0x9: {  	[smem:$0x7FF] =	sst s2;
	s5 =	sshll.u32 s6, $0x6;
	s6 =	sshll.u32 s6, $0xE  }
0xa: {  	s4 =	ssub.s32 $0x2, s3;
	s3 =	sshll.u32 s3, $0x5;
	s5 =	sand.u32 $0x40, s5  }
0xb: {  	s6 =	sand.u32 $0x38000, s6;
	s7 =	sshrl.u32 s4, $0x1;
	s3 =	sor.u32 s3, s5  }
0xc: {  	_ =	strace $0x80000047;
	s11 =	ssub.s32 s4, s7;
	s31 =	sor.u32 s6, s3  }
0xd: {  	s3 =	sadd.s32 s0, s31;
	s8 =	sor.u32 $0x4000, s31;
	s9 =	sor.u32 $0x10, s31  }
0xe: {  	s10 =	sor.u32 $0x4010, s31;
	s7 =	sadd.s32 s1, s31;
	s11 =	smax.u32 s11, $0x1  }
0xf: {  	s4 =	sadd.s32 s0, s8;
	s5 =	sadd.s32 s0, s9;
	s6 =	sadd.s32 s0, s10  }
0x10: {  	v0 =	vimm.f32 $0.0e+00;
	v1 =	vimm.f32 $1.000000000e+00;
	s8 =	sadd.s32 s1, s8;
	s9 =	sadd.s32 s1, s9;
	s10 =	sadd.s32 s1, s10  }
.LBB2_1:
0x11: {  	[tilespmem:s2], [sflag:$0x1] =	stream.strided.gather [hbm4b:s3+s12], $0x4000, s13, s12, $0x38;
	[tilespmem:$0x18400] =	vst v63  }
0x12: {  	_ = 	snop  }
0x13: {  	[tilespmem:s14], [sflag:$0x2] =	stream.strided.gather [hbm4b:s4+s12], $0x4000, s13, s12, $0x38;
	[tilespmem:$0x18400] =	vst v63  }
0x14: {  	_ = 	snop  }
0x15: {  	[tilespmem:s15], [sflag:$0x3] =	stream.strided.gather [hbm4b:s5+s12], $0x4000, s13, s12, $0x38;
	[tilespmem:$0x18400] =	vst v63  }
0x16: {  	s0 =	simm.s32 $0x18020  }
0x17: {  	[tilespmem:s16], [sflag:$0x4] =	stream.strided.gather [hbm4b:s6+s12], $0x4000, s13, s12, $0x38;
	[tilespmem:$0x18400] =	vst v63  }
0x18: {  	[tilespmem:s0+$0xFFFFFFE0] =	vst v0  }
0x19: {  	[tilespmem:s0+$0x10] =	vst v0  }
0x1a: {  	s1 =	simm.s32 $0x0;
	[tilespmem:s0+$0x0] =	vst v0  }
.LBB2_2:
0x1b: {  	s1 =	sadd.s32 $0x40, s1  }
0x1c: {  	[tilespmem:s0+$0xFFFFFFF0] =	vst v0;
	s0 =	sadd.s32 $0x40, s0;
	p0 =	slt.u32 s1, $0x3C0  }
.Ltmp0:
0x1d: {  	[tilespmem:s0+$0xFFFFFFE0] =	vst v0;
	(pc) =	sbr.rel @p0 .LBB2_2-.Ltmp0, $3  }
0x1e: {  	_ =	sdelay $0x1  }
0x1f: {  	[tilespmem:s0+$0x10] =	vst v0  }
0x20: {  	[tilespmem:s0+$0x0] =	vst v0  }
0x21: {  	[tilespmem:s0+$0xFFFFFFF0] =	vst v0  }
0x22: {  	_ =	swait.ge [sflag:s17], $0x4000  }
0x23: {  	[sflag:s17] =	ssyncset.done $0x0  }
0x24: {  	s28 =	simm.s32 $0x80;
	[sflag:s17] =	ssyncadd.s32 $0xFFFFC000  }
0x25: {  	v3 =	vld [tilespmem:s28+$0x30]  }
0x26: {  	v4 =	vld [tilespmem:s28+$0x40]  }
0x27: {  	v2 =	vld [tilespmem:s28+$0xFFFFFF80]  }
0x28: {  	v5 =	vld [tilespmem:s28+$0x70]  }
0x29: {  	v6 =	vld [tilespmem:s28+$0xFFFFFFD0]  }
0x2a: {  	v7 =	vld [tilespmem:s28+$0xFFFFFFE0]  }
0x2b: {  	v8 =	vld [tilespmem:s28+$0xFFFFFFF0]  }
0x2c: {  	v9 =	vld [tilespmem:s28+$0x0]  }
0x2d: {  	v10 =	vld [tilespmem:s28+$0x60]  }
0x2e: {  	v11 =	vld [tilespmem:s28+$0x50]  }
0x2f: {  	v62 =	vld [tilespmem:s28+$0xFFFFFFA0]  }
0x30: {  	v12 =	vld [tilespmem:s28+$0x20]  }
0x31: {  	v13 =	vld [tilespmem:s28+$0x10]  }
0x32: {  	v63 =	vld [tilespmem:s28+$0xFFFFFFB0]  }
0x33: {  	[tilespmem:v2+s18+$0x0] =	vst.idx.add.f32.msk $0xffff, v1  }
0x34: {  	[tilespmem:v5+s18+$0x0] =	vst.idx.add.f32.msk $0xffff, v1  }
0x35: {  	v2 =	vld [tilespmem:s28+$0xFFFFFF90]  }
0x36: {  	[tilespmem:v10+s18+$0x0] =	vst.idx.add.f32.msk $0xffff, v1  }
0x37: {  	[tilespmem:v11+s18+$0x0] =	vst.idx.add.f32.msk $0xffff, v1  }
0x38: {  	[tilespmem:v4+s18+$0x0] =	vst.idx.add.f32.msk $0xffff, v1  }
0x39: {  	[tilespmem:v3+s18+$0x0] =	vst.idx.add.f32.msk $0xffff, v1  }
0x3a: {  	v3 =	vld [tilespmem:s28+$0xFFFFFFC0]  }
0x3b: {  	[tilespmem:v12+s18+$0x0] =	vst.idx.add.f32.msk $0xffff, v1  }
0x3c: {  	[tilespmem:v13+s18+$0x0] =	vst.idx.add.f32.msk $0xffff, v1  }
0x3d: {  	[tilespmem:v9+s18+$0x0] =	vst.idx.add.f32.msk $0xffff, v1  }
0x3e: {  	[tilespmem:v8+s18+$0x0] =	vst.idx.add.f32.msk $0xffff, v1  }
0x3f: {  	[tilespmem:v7+s18+$0x0] =	vst.idx.add.f32.msk $0xffff, v1  }
0x40: {  	[tilespmem:v6+s18+$0x0] =	vst.idx.add.f32.msk $0xffff, v1  }
0x41: {  	[tilespmem:v63+s18+$0x0] =	vst.idx.add.f32.msk $0xffff, v1  }
0x42: {  	[tilespmem:v62+s18+$0x0] =	vst.idx.add.f32.msk $0xffff, v1  }
0x43: {  	s29 =	simm.s32 $0x0;
	[tilespmem:v3+s18+$0x0] =	vst.idx.add.f32.msk $0xffff, v1  }
.LBB2_4:
0x44: {  	s29 =	sadd.s32 $0x100, s29;
	[tilespmem:v2+s18+$0x0] =	vst.idx.add.f32.msk $0xffff, v1;
	s28 =	sadd.s32 $0x100, s28  }
0x45: {  	v3 =	vld [tilespmem:s28+$0x30];
	p0 =	slt.u32 s29, $0x3F00  }
0x46: {  	v4 =	vld [tilespmem:s28+$0x40]  }
0x47: {  	v2 =	vld [tilespmem:s28+$0xFFFFFF80]  }
0x48: {  	v5 =	vld [tilespmem:s28+$0x70]  }
0x49: {  	v6 =	vld [tilespmem:s28+$0xFFFFFFD0]  }
0x4a: {  	v7 =	vld [tilespmem:s28+$0xFFFFFFE0]  }
0x4b: {  	v8 =	vld [tilespmem:s28+$0xFFFFFFF0]  }
0x4c: {  	v9 =	vld [tilespmem:s28+$0x0]  }
0x4d: {  	v10 =	vld [tilespmem:s28+$0x60]  }
0x4e: {  	v11 =	vld [tilespmem:s28+$0x50]  }
0x4f: {  	[tilespmem:v2+s18+$0x0] =	vst.idx.add.f32.msk $0xffff, v1  }
0x50: {  	[tilespmem:v5+s18+$0x0] =	vst.idx.add.f32.msk $0xffff, v1  }
0x51: {  	v2 =	vld [tilespmem:s28+$0xFFFFFF90]  }
0x52: {  	v5 =	vld [tilespmem:s28+$0xFFFFFFA0]  }
0x53: {  	v12 =	vld [tilespmem:s28+$0x20]  }
0x54: {  	v13 =	vld [tilespmem:s28+$0x10]  }
0x55: {  	[tilespmem:v10+s18+$0x0] =	vst.idx.add.f32.msk $0xffff, v1  }
0x56: {  	[tilespmem:v11+s18+$0x0] =	vst.idx.add.f32.msk $0xffff, v1  }
0x57: {  	[tilespmem:v4+s18+$0x0] =	vst.idx.add.f32.msk $0xffff, v1  }
0x58: {  	[tilespmem:v3+s18+$0x0] =	vst.idx.add.f32.msk $0xffff, v1  }
0x59: {  	v3 =	vld [tilespmem:s28+$0xFFFFFFC0]  }
0x5a: {  	v4 =	vld [tilespmem:s28+$0xFFFFFFB0]  }
0x5b: {  	[tilespmem:v12+s18+$0x0] =	vst.idx.add.f32.msk $0xffff, v1  }
0x5c: {  	[tilespmem:v13+s18+$0x0] =	vst.idx.add.f32.msk $0xffff, v1  }
0x5d: {  	[tilespmem:v9+s18+$0x0] =	vst.idx.add.f32.msk $0xffff, v1  }
0x5e: {  	[tilespmem:v8+s18+$0x0] =	vst.idx.add.f32.msk $0xffff, v1  }
.Ltmp1:
0x5f: {  	[tilespmem:v7+s18+$0x0] =	vst.idx.add.f32.msk $0xffff, v1;
	(pc) =	sbr.rel @p0 .LBB2_4-.Ltmp1, $4  }
0x60: {  	[tilespmem:v6+s18+$0x0] =	vst.idx.add.f32.msk $0xffff, v1  }
0x61: {  	[tilespmem:v3+s18+$0x0] =	vst.idx.add.f32.msk $0xffff, v1  }
0x62: {  	[tilespmem:v4+s18+$0x0] =	vst.idx.add.f32.msk $0xffff, v1  }
0x63: {  	[tilespmem:v5+s18+$0x0] =	vst.idx.add.f32.msk $0xffff, v1  }
0x64: {  	_ =	sdelay $0x3  }
0x65: {  	[tilespmem:v2+s18+$0x0] =	vst.idx.add.f32.msk $0xffff, v1  }
0x66: {  	_ =	swait.ge [sflag:s19], $0x4000  }
0x67: {  	[sflag:s19] =	ssyncset.done $0x0  }
0x68: {  	s28 =	simm.s32 $0x40F0;
	[sflag:s19] =	ssyncadd.s32 $0xFFFFC000  }
0x69: {  	v3 =	vld [tilespmem:s28+$0xFFFFFF30]  }
0x6a: {  	v4 =	vld [tilespmem:s28+$0xFFFFFF10]  }
0x6b: {  	v5 =	vld [tilespmem:s28+$0xFFFFFFC0]  }
0x6c: {  	v6 =	vld [tilespmem:s28+$0xFFFFFFA0]  }
0x6d: {  	v7 =	vld [tilespmem:s28+$0xFFFFFFB0]  }
0x6e: {  	v8 =	vld [tilespmem:s28+$0x0]  }
0x6f: {  	v9 =	vld [tilespmem:s28+$0xFFFFFFF0]  }
0x70: {  	v10 =	vld [tilespmem:s28+$0xFFFFFFE0]  }
0x71: {  	v2 =	vld [tilespmem:s28+$0xFFFFFF20]  }
0x72: {  	v60 =	vld [tilespmem:s28+$0xFFFFFF40]  }
0x73: {  	v11 =	vld [tilespmem:s28+$0xFFFFFF50]  }
0x74: {  	v12 =	vld [tilespmem:s28+$0xFFFFFFD0]  }
0x75: {  	v61 =	vld [tilespmem:s28+$0xFFFFFF90]  }
0x76: {  	v62 =	vld [tilespmem:s28+$0xFFFFFF80]  }
0x77: {  	v63 =	vld [tilespmem:s28+$0xFFFFFF70]  }
0x78: {  	v13 =	vld [tilespmem:s28+$0xFFFFFF60]  }
0x79: {  	[tilespmem:v4+s18+$0x0] =	vst.idx.add.f32.msk $0xffff, v1  }
0x7a: {  	[tilespmem:v8+s18+$0x0] =	vst.idx.add.f32.msk $0xffff, v1  }
0x7b: {  	[tilespmem:v9+s18+$0x0] =	vst.idx.add.f32.msk $0xffff, v1  }
0x7c: {  	[tilespmem:v10+s18+$0x0] =	vst.idx.add.f32.msk $0xffff, v1  }
0x7d: {  	[tilespmem:v12+s18+$0x0] =	vst.idx.add.f32.msk $0xffff, v1  }
0x7e: {  	[tilespmem:v5+s18+$0x0] =	vst.idx.add.f32.msk $0xffff, v1  }
0x7f: {  	[tilespmem:v7+s18+$0x0] =	vst.idx.add.f32.msk $0xffff, v1  }
0x80: {  	[tilespmem:v6+s18+$0x0] =	vst.idx.add.f32.msk $0xffff, v1  }
0x81: {  	[tilespmem:v61+s18+$0x0] =	vst.idx.add.f32.msk $0xffff, v1  }
0x82: {  	[tilespmem:v62+s18+$0x0] =	vst.idx.add.f32.msk $0xffff, v1  }
0x83: {  	[tilespmem:v63+s18+$0x0] =	vst.idx.add.f32.msk $0xffff, v1  }
0x84: {  	[tilespmem:v13+s18+$0x0] =	vst.idx.add.f32.msk $0xffff, v1  }
0x85: {  	[tilespmem:v11+s18+$0x0] =	vst.idx.add.f32.msk $0xffff, v1  }
0x86: {  	[tilespmem:v60+s18+$0x0] =	vst.idx.add.f32.msk $0xffff, v1  }
0x87: {  	s29 =	simm.s32 $0x4000;
	[tilespmem:v3+s18+$0x0] =	vst.idx.add.f32.msk $0xffff, v1  }
.LBB2_6:
0x88: {  	s29 =	sadd.s32 $0x100, s29;
	[tilespmem:v2+s18+$0x0] =	vst.idx.add.f32.msk $0xffff, v1;
	s28 =	sadd.s32 $0x100, s28  }
0x89: {  	v3 =	vld [tilespmem:s28+$0xFFFFFF30];
	p0 =	slt.u32 s29, $0x7F00  }
0x8a: {  	v4 =	vld [tilespmem:s28+$0xFFFFFF10]  }
0x8b: {  	v5 =	vld [tilespmem:s28+$0xFFFFFFC0]  }
0x8c: {  	v6 =	vld [tilespmem:s28+$0xFFFFFFA0]  }
0x8d: {  	v7 =	vld [tilespmem:s28+$0xFFFFFFB0]  }
0x8e: {  	v8 =	vld [tilespmem:s28+$0x0]  }
0x8f: {  	v9 =	vld [tilespmem:s28+$0xFFFFFFF0]  }
0x90: {  	v10 =	vld [tilespmem:s28+$0xFFFFFFE0]  }
0x91: {  	v2 =	vld [tilespmem:s28+$0xFFFFFF20]  }
0x92: {  	[tilespmem:v4+s18+$0x0] =	vst.idx.add.f32.msk $0xffff, v1  }
0x93: {  	v4 =	vld [tilespmem:s28+$0xFFFFFF40]  }
0x94: {  	v11 =	vld [tilespmem:s28+$0xFFFFFF50]  }
0x95: {  	v12 =	vld [tilespmem:s28+$0xFFFFFFD0]  }
0x96: {  	[tilespmem:v8+s18+$0x0] =	vst.idx.add.f32.msk $0xffff, v1  }
0x97: {  	[tilespmem:v9+s18+$0x0] =	vst.idx.add.f32.msk $0xffff, v1  }
0x98: {  	[tilespmem:v10+s18+$0x0] =	vst.idx.add.f32.msk $0xffff, v1  }
0x99: {  	v8 =	vld [tilespmem:s28+$0xFFFFFF90]  }
0x9a: {  	v9 =	vld [tilespmem:s28+$0xFFFFFF80]  }
0x9b: {  	v10 =	vld [tilespmem:s28+$0xFFFFFF70]  }
0x9c: {  	v13 =	vld [tilespmem:s28+$0xFFFFFF60]  }
0x9d: {  	[tilespmem:v12+s18+$0x0] =	vst.idx.add.f32.msk $0xffff, v1  }
0x9e: {  	[tilespmem:v5+s18+$0x0] =	vst.idx.add.f32.msk $0xffff, v1  }
0x9f: {  	[tilespmem:v7+s18+$0x0] =	vst.idx.add.f32.msk $0xffff, v1  }
0xa0: {  	[tilespmem:v6+s18+$0x0] =	vst.idx.add.f32.msk $0xffff, v1  }
0xa1: {  	[tilespmem:v8+s18+$0x0] =	vst.idx.add.f32.msk $0xffff, v1  }
0xa2: {  	[tilespmem:v9+s18+$0x0] =	vst.idx.add.f32.msk $0xffff, v1  }
.Ltmp2:
0xa3: {  	[tilespmem:v10+s18+$0x0] =	vst.idx.add.f32.msk $0xffff, v1;
	(pc) =	sbr.rel @p0 .LBB2_6-.Ltmp2, $4  }
0xa4: {  	[tilespmem:v13+s18+$0x0] =	vst.idx.add.f32.msk $0xffff, v1  }
0xa5: {  	[tilespmem:v11+s18+$0x0] =	vst.idx.add.f32.msk $0xffff, v1  }
0xa6: {  	[tilespmem:v4+s18+$0x0] =	vst.idx.add.f32.msk $0xffff, v1  }
0xa7: {  	s30 =	simm.s32 $0x18020;
	[tilespmem:v3+s18+$0x0] =	vst.idx.add.f32.msk $0xffff, v1  }
0xa8: {  	_ =	sdelay $0x3  }
0xa9: {  	[tilespmem:v2+s18+$0x0] =	vst.idx.add.f32.msk $0xffff, v1  }
0xaa: {  	v2 =	vld [tilespmem:s30+$0xFFFFFFE0]  }
0xab: {  	v3 =	vld [tilespmem:s30+$0x10]  }
0xac: {  	v4 =	vld [tilespmem:s30+$0x0];
	_ =	sdelay $0x1  }
0xad: {  	v5 =	vld [tilespmem:s30+$0xFFFFFFF0]  }
0xae: {  	(erf) = vrcp.f32 v2  }
0xaf: {  	s31 =	simm.s32 $0x18060;
	(erf) = vrcp.f32 v3  }
0xb0: {  	v2 =	vld [tilespmem:s31+$0xFFFFFFE0];
	(erf) = vrcp.f32 v4  }
0xb1: {  	v3 =	vld [tilespmem:s31+$0x10]  }
0xb2: {  	v4 =	vld [tilespmem:s31+$0x0];
	(erf) = vrcp.f32 v5  }
0xb3: {  	s29 =	simm.s32 $0x180A0;
	v5 =	vld [tilespmem:s31+$0xFFFFFFF0]  }
0xb4: {  	v6 =	vld [tilespmem:s29+$0xFFFFFFE0]  }
0xb5: {  	(erf) = vrcp.f32 v2  }
0xb6: {  	(erf) = vrcp.f32 v3  }
0xb7: {  	v3 =	vpop (erf);
	(erf) = vrcp.f32 v4  }
0xb8: {  	v2 =	vld [tilespmem:s29+$0x10];
	v4 =	vpop (erf);
	(erf) = vrcp.f32 v5  }
0xb9: {  	[tilespmem:s30+$0xFFFFFFE0] =	vst v3;
	v3 =	vld [tilespmem:s29+$0x0];
	v5 =	vpop (erf);
	(erf) = vrcp.f32 v6  }
0xba: {  	[tilespmem:s30+$0x10] =	vst v4;
	v4 =	vld [tilespmem:s29+$0xFFFFFFF0]  }
0xbb: {  	s0 =	simm.s32 $0x80;
	s1 =	simm.s32 $0x180E0;
	[tilespmem:s30+$0x0] =	vst v5;
	v5 =	vpop (erf)  }
.LBB2_8:
0xbc: {  	s0 =	sadd.s32 $0x40, s0  }
0xbd: {  	v6 =	vld [tilespmem:s1+$0xFFFFFFE0];
	(erf) = vrcp.f32 v2;
	[tilespmem:s30+$0xFFFFFFF0] =	vst v5;
	s28 =	simm.s32 $0x10080;
	p0 =	slt.u32 s0, $0x3C0  }
.Ltmp3:
0xbe: {  	s30 =	smov.u32 s31;
	v2 =	vld [tilespmem:s1+$0x10];
	(erf) = vrcp.f32 v3;
	(pc) =	sbr.rel @p0 .LBB2_8-.Ltmp3, $4  }
0xbf: {  	s31 =	smov.u32 s29;
	s29 =	smov.u32 s1;
	v3 =	vld [tilespmem:s1+$0x0];
	(erf) = vrcp.f32 v4;
	v5 =	vpop (erf)  }
0xc0: {  	v4 =	vld [tilespmem:s1+$0xFFFFFFF0];
	[tilespmem:s30+$0xFFFFFFE0] =	vst v5;
	v5 =	vpop (erf)  }
0xc1: {  	[tilespmem:s30+$0x10] =	vst v5;
	v5 =	vpop (erf)  }
0xc2: {  	s1 =	sadd.s32 $0x40, s1;
	(erf) = vrcp.f32 v6;
	[tilespmem:s30+$0x0] =	vst v5;
	v5 =	vpop (erf)  }
0xc3: {  	(erf) = vrcp.f32 v2  }
0xc4: {  	(erf) = vrcp.f32 v3  }
0xc5: {  	(erf) = vrcp.f32 v4;
	_ =	sdelay $0x1  }
0xc6: {  	[tilespmem:s30+$0xFFFFFFF0] =	vst v5;
	v2 =	vpop (erf)  }
0xc7: {  	[tilespmem:s31+$0xFFFFFFE0] =	vst v2;
	v2 =	vpop (erf)  }
0xc8: {  	[tilespmem:s31+$0x10] =	vst v2;
	v2 =	vpop (erf)  }
0xc9: {  	[tilespmem:s31+$0x0] =	vst v2;
	v2 =	vpop (erf)  }
0xca: {  	[tilespmem:s31+$0xFFFFFFF0] =	vst v2;
	v2 =	vpop (erf)  }
0xcb: {  	[tilespmem:s29+$0xFFFFFFE0] =	vst v2;
	v2 =	vpop (erf)  }
0xcc: {  	[tilespmem:s29+$0x10] =	vst v2;
	v2 =	vpop (erf)  }
0xcd: {  	[tilespmem:s29+$0x0] =	vst v2;
	v2 =	vpop (erf)  }
0xce: {  	s0 =	simm.s32 $0x80;
	[tilespmem:s29+$0xFFFFFFF0] =	vst v2  }
0xcf: {  	v2 =	vld [tilespmem:s0+$0x70]  }
0xd0: {  	v3 =	vld [tilespmem:s0+$0xFFFFFF90]  }
0xd1: {  	v4 =	vld [tilespmem:s0+$0xFFFFFFA0]  }
0xd2: {  	v5 =	vld [tilespmem:s0+$0xFFFFFFB0]  }
0xd3: {  	v6 =	vld [tilespmem:s0+$0xFFFFFFC0]  }
0xd4: {  	v7 =	vld [tilespmem:s0+$0xFFFFFFD0]  }
0xd5: {  	v8 =	vld [tilespmem:s0+$0xFFFFFFE0]  }
0xd6: {  	v9 =	vld [tilespmem:s0+$0xFFFFFFF0]  }
0xd7: {  	v10 =	vld [tilespmem:s0+$0x0]  }
0xd8: {  	v11 =	vld [tilespmem:s0+$0x10]  }
0xd9: {  	v12 =	vld [tilespmem:s0+$0x20]  }
0xda: {  	v13 =	vld [tilespmem:s0+$0x30]  }
0xdb: {  	v14 =	vld [tilespmem:s0+$0x40]  }
0xdc: {  	v15 =	vld [tilespmem:s0+$0x50]  }
0xdd: {  	v16 =	vld [tilespmem:s0+$0x60]  }
0xde: {  	v17 =	vld [tilespmem:s0+$0xFFFFFF80]  }
0xdf: {  	v2 =	vld.idx.msk [tilespmem:v2+s18+$0x0], $0xffff  }
0xe0: {  	v3 =	vld.idx.msk [tilespmem:v3+s18+$0x0], $0xffff  }
0xe1: {  	v4 =	vld.idx.msk [tilespmem:v4+s18+$0x0], $0xffff  }
0xe2: {  	v5 =	vld.idx.msk [tilespmem:v5+s18+$0x0], $0xffff  }
0xe3: {  	v6 =	vld.idx.msk [tilespmem:v6+s18+$0x0], $0xffff  }
0xe4: {  	v7 =	vld.idx.msk [tilespmem:v7+s18+$0x0], $0xffff  }
0xe5: {  	v8 =	vld.idx.msk [tilespmem:v8+s18+$0x0], $0xffff;
	[tilespmem:s28+$0x70] =	vst v2  }
0xe6: {  	v9 =	vld.idx.msk [tilespmem:v9+s18+$0x0], $0xffff;
	[tilespmem:s28+$0xFFFFFF90] =	vst v3  }
0xe7: {  	v17 =	vld.idx.msk [tilespmem:v17+s18+$0x0], $0xffff;
	[tilespmem:s28+$0xFFFFFFA0] =	vst v4  }
0xe8: {  	v10 =	vld.idx.msk [tilespmem:v10+s18+$0x0], $0xffff;
	[tilespmem:s28+$0xFFFFFFB0] =	vst v5  }
0xe9: {  	[tilespmem:s28+$0xFFFFFFC0] =	vst v6;
	v2 =	vld.idx.msk [tilespmem:v11+s18+$0x0], $0xffff  }
0xea: {  	[tilespmem:s28+$0xFFFFFFD0] =	vst v7;
	v3 =	vld.idx.msk [tilespmem:v12+s18+$0x0], $0xffff  }
0xeb: {  	[tilespmem:s28+$0xFFFFFFE0] =	vst v8;
	v4 =	vld.idx.msk [tilespmem:v13+s18+$0x0], $0xffff  }
0xec: {  	[tilespmem:s28+$0xFFFFFFF0] =	vst v9;
	v5 =	vld.idx.msk [tilespmem:v14+s18+$0x0], $0xffff  }
0xed: {  	[tilespmem:s28+$0xFFFFFF80] =	vst v17;
	v6 =	vld.idx.msk [tilespmem:v15+s18+$0x0], $0xffff  }
0xee: {  	s30 =	simm.s32 $0x180;
	s29 =	simm.s32 $0x0;
	[tilespmem:s28+$0x0] =	vst v10;
	v7 =	vld.idx.msk [tilespmem:v16+s18+$0x0], $0xffff  }
.LBB2_10:
0xef: {  	v8 =	vld [tilespmem:s30+$0x70];
	s29 =	sadd.s32 $0x100, s29;
	[tilespmem:s28+$0x10] =	vst v2  }
0xf0: {  	v2 =	vld [tilespmem:s30+$0xFFFFFF90];
	p0 =	slt.u32 s29, $0x3F00;
	[tilespmem:s28+$0x20] =	vst v3  }
0xf1: {  	v3 =	vld [tilespmem:s30+$0xFFFFFFA0];
	[tilespmem:s28+$0x30] =	vst v4  }
0xf2: {  	v4 =	vld [tilespmem:s30+$0xFFFFFFB0];
	[tilespmem:s28+$0x40] =	vst v5  }
0xf3: {  	v5 =	vld [tilespmem:s30+$0xFFFFFFC0];
	[tilespmem:s28+$0x50] =	vst v6  }
0xf4: {  	v6 =	vld [tilespmem:s30+$0xFFFFFFD0];
	[tilespmem:s28+$0x60] =	vst v7  }
0xf5: {  	v7 =	vld [tilespmem:s30+$0xFFFFFFE0]  }
0xf6: {  	v9 =	vld [tilespmem:s30+$0xFFFFFFF0]  }
0xf7: {  	v8 =	vld.idx.msk [tilespmem:v8+s18+$0x0], $0xffff  }
0xf8: {  	v10 =	vld [tilespmem:s30+$0x0]  }
0xf9: {  	v11 =	vld [tilespmem:s30+$0x10]  }
0xfa: {  	v12 =	vld [tilespmem:s30+$0x20]  }
0xfb: {  	v13 =	vld [tilespmem:s30+$0x30]  }
0xfc: {  	s28 =	sadd.s32 $0x100, s28;
	v14 =	vld [tilespmem:s30+$0x40]  }
0xfd: {  	v15 =	vld [tilespmem:s30+$0x50];
	[tilespmem:s28+$0x70] =	vst v8  }
0xfe: {  	v8 =	vld [tilespmem:s30+$0x60]  }
0xff: {  	v16 =	vld [tilespmem:s30+$0xFFFFFF80]  }
0x100: {  	v2 =	vld.idx.msk [tilespmem:v2+s18+$0x0], $0xffff  }
0x101: {  	v3 =	vld.idx.msk [tilespmem:v3+s18+$0x0], $0xffff  }
0x102: {  	v4 =	vld.idx.msk [tilespmem:v4+s18+$0x0], $0xffff  }
0x103: {  	v5 =	vld.idx.msk [tilespmem:v5+s18+$0x0], $0xffff  }
0x104: {  	v6 =	vld.idx.msk [tilespmem:v6+s18+$0x0], $0xffff  }
0x105: {  	v7 =	vld.idx.msk [tilespmem:v7+s18+$0x0], $0xffff  }
0x106: {  	[tilespmem:s28+$0xFFFFFF90] =	vst v2;
	v9 =	vld.idx.msk [tilespmem:v9+s18+$0x0], $0xffff  }
0x107: {  	v16 =	vld.idx.msk [tilespmem:v16+s18+$0x0], $0xffff;
	[tilespmem:s28+$0xFFFFFFA0] =	vst v3  }
0x108: {  	[tilespmem:s28+$0xFFFFFFB0] =	vst v4;
	v10 =	vld.idx.msk [tilespmem:v10+s18+$0x0], $0xffff  }
0x109: {  	[tilespmem:s28+$0xFFFFFFC0] =	vst v5;
	v2 =	vld.idx.msk [tilespmem:v11+s18+$0x0], $0xffff  }
.Ltmp4:
0x10a: {  	[tilespmem:s28+$0xFFFFFFD0] =	vst v6;
	v3 =	vld.idx.msk [tilespmem:v12+s18+$0x0], $0xffff;
	(pc) =	sbr.rel @p0 .LBB2_10-.Ltmp4, $4  }
0x10b: {  	[tilespmem:s28+$0xFFFFFFE0] =	vst v7;
	v4 =	vld.idx.msk [tilespmem:v13+s18+$0x0], $0xffff  }
0x10c: {  	[tilespmem:s28+$0xFFFFFFF0] =	vst v9;
	v5 =	vld.idx.msk [tilespmem:v14+s18+$0x0], $0xffff  }
0x10d: {  	[tilespmem:s28+$0xFFFFFF80] =	vst v16;
	v6 =	vld.idx.msk [tilespmem:v15+s18+$0x0], $0xffff  }
0x10e: {  	s30 =	sadd.s32 $0x100, s30;
	[tilespmem:s28+$0x0] =	vst v10;
	v7 =	vld.idx.msk [tilespmem:v8+s18+$0x0], $0xffff  }
0x10f: {  	[tilespmem:s28+$0x10] =	vst v2  }
0x110: {  	[tilespmem:s28+$0x20] =	vst v3  }
0x111: {  	[tilespmem:s28+$0x30] =	vst v4  }
0x112: {  	[tilespmem:s28+$0x40] =	vst v5  }
0x113: {  	[tilespmem:s28+$0x50] =	vst v6  }
0x114: {  	[tilespmem:s28+$0x60] =	vst v7;
	s28 =	simm.s32 $0x0  }
0x115: {  	[hbm4b:s7+s12] =	stream.strided.scatter [tilespmem:s20], [sflag:$0x5], $0x4000, s13, s12, $0x38;
	[tilespmem:$0x18400] =	vst v63  }
0x116: {  	v2 =	vld [tilespmem:s28+$0x40F0]  }
0x117: {  	v3 =	vld [tilespmem:s28+$0x4000]  }
0x118: {  	v4 =	vld [tilespmem:s28+$0x4010]  }
0x119: {  	v5 =	vld [tilespmem:s28+$0x4020]  }
0x11a: {  	v6 =	vld [tilespmem:s28+$0x4030]  }
0x11b: {  	v7 =	vld [tilespmem:s28+$0x4040]  }
0x11c: {  	v8 =	vld [tilespmem:s28+$0x4050]  }
0x11d: {  	v9 =	vld [tilespmem:s28+$0x4060]  }
0x11e: {  	v11 =	vld [tilespmem:s28+$0x4070]  }
0x11f: {  	v12 =	vld [tilespmem:s28+$0x4080]  }
0x120: {  	v13 =	vld [tilespmem:s28+$0x4090]  }
0x121: {  	v14 =	vld [tilespmem:s28+$0x40A0]  }
0x122: {  	v15 =	vld [tilespmem:s28+$0x40B0]  }
0x123: {  	v16 =	vld [tilespmem:s28+$0x40C0]  }
0x124: {  	v17 =	vld [tilespmem:s28+$0x40D0]  }
0x125: {  	v10 =	vld.idx.msk [tilespmem:v2+s18+$0x0], $0xffff  }
0x126: {  	v2 =	vld [tilespmem:s28+$0x40E0]  }
0x127: {  	v3 =	vld.idx.msk [tilespmem:v3+s18+$0x0], $0xffff  }
0x128: {  	v4 =	vld.idx.msk [tilespmem:v4+s18+$0x0], $0xffff  }
0x129: {  	v5 =	vld.idx.msk [tilespmem:v5+s18+$0x0], $0xffff  }
0x12a: {  	v6 =	vld.idx.msk [tilespmem:v6+s18+$0x0], $0xffff  }
0x12b: {  	v7 =	vld.idx.msk [tilespmem:v7+s18+$0x0], $0xffff  }
0x12c: {  	v8 =	vld.idx.msk [tilespmem:v8+s18+$0x0], $0xffff;
	[tilespmem:s28+$0x140F0] =	vst v10  }
0x12d: {  	v9 =	vld.idx.msk [tilespmem:v9+s18+$0x0], $0xffff;
	[tilespmem:s28+$0x14000] =	vst v3  }
0x12e: {  	[tilespmem:s28+$0x14010] =	vst v4;
	v10 =	vld.idx.msk [tilespmem:v11+s18+$0x0], $0xffff  }
0x12f: {  	[tilespmem:s28+$0x14020] =	vst v5;
	v5 =	vld.idx.msk [tilespmem:v12+s18+$0x0], $0xffff  }
0x130: {  	[tilespmem:s28+$0x14030] =	vst v6;
	v3 =	vld.idx.msk [tilespmem:v13+s18+$0x0], $0xffff  }
0x131: {  	[tilespmem:s28+$0x14040] =	vst v7;
	v4 =	vld.idx.msk [tilespmem:v14+s18+$0x0], $0xffff  }
0x132: {  	[tilespmem:s28+$0x14050] =	vst v8;
	v6 =	vld.idx.msk [tilespmem:v15+s18+$0x0], $0xffff  }
0x133: {  	[tilespmem:s28+$0x14060] =	vst v9;
	v7 =	vld.idx.msk [tilespmem:v16+s18+$0x0], $0xffff  }
0x134: {  	s29 =	simm.s32 $0x4000;
	s30 =	simm.s32 $0x400;
	v8 =	vld.idx.msk [tilespmem:v17+s18+$0x0], $0xffff;
	[tilespmem:s28+$0x14070] =	vst v10  }
.LBB2_12:
0x135: {  	s0 =	sshra.s32 s30, $0x2;
	s29 =	sadd.s32 $0x100, s29;
	[tilespmem:s28+$0x14080] =	vst v5;
	v2 =	vld.idx.msk [tilespmem:v2+s18+$0x0], $0xffff  }
0x136: {  	v5 =	vld [tilespmem:s0+$0x40F0];
	p0 =	slt.u32 s29, $0x7F00;
	[tilespmem:s28+$0x14090] =	vst v3  }
0x137: {  	v3 =	vld [tilespmem:s0+$0x4000];
	[tilespmem:s28+$0x140A0] =	vst v4  }
0x138: {  	v4 =	vld [tilespmem:s0+$0x4010];
	[tilespmem:s28+$0x140B0] =	vst v6  }
0x139: {  	v6 =	vld [tilespmem:s0+$0x4020];
	[tilespmem:s28+$0x140C0] =	vst v7  }
0x13a: {  	v7 =	vld [tilespmem:s0+$0x4030];
	[tilespmem:s28+$0x140D0] =	vst v8  }
0x13b: {  	v8 =	vld [tilespmem:s0+$0x4040];
	[tilespmem:s28+$0x140E0] =	vst v2;
	s28 =	smov.u32 s0  }
0x13c: {  	v9 =	vld [tilespmem:s28+$0x4050]  }
0x13d: {  	v10 =	vld [tilespmem:s28+$0x4060]  }
0x13e: {  	v2 =	vld.idx.msk [tilespmem:v5+s18+$0x0], $0xffff  }
0x13f: {  	v5 =	vld [tilespmem:s28+$0x4070]  }
0x140: {  	v11 =	vld [tilespmem:s28+$0x4080]  }
0x141: {  	v12 =	vld [tilespmem:s28+$0x4090]  }
0x142: {  	v13 =	vld [tilespmem:s28+$0x40A0]  }
0x143: {  	v14 =	vld [tilespmem:s28+$0x40B0]  }
0x144: {  	v15 =	vld [tilespmem:s28+$0x40C0];
	[tilespmem:s28+$0x140F0] =	vst v2  }
0x145: {  	v16 =	vld [tilespmem:s28+$0x40D0]  }
0x146: {  	v2 =	vld [tilespmem:s28+$0x40E0]  }
0x147: {  	v3 =	vld.idx.msk [tilespmem:v3+s18+$0x0], $0xffff  }
0x148: {  	v4 =	vld.idx.msk [tilespmem:v4+s18+$0x0], $0xffff  }
0x149: {  	v6 =	vld.idx.msk [tilespmem:v6+s18+$0x0], $0xffff  }
0x14a: {  	v7 =	vld.idx.msk [tilespmem:v7+s18+$0x0], $0xffff  }
0x14b: {  	v8 =	vld.idx.msk [tilespmem:v8+s18+$0x0], $0xffff  }
0x14c: {  	v9 =	vld.idx.msk [tilespmem:v9+s18+$0x0], $0xffff  }
0x14d: {  	[tilespmem:s28+$0x14000] =	vst v3;
	v10 =	vld.idx.msk [tilespmem:v10+s18+$0x0], $0xffff  }
0x14e: {  	[tilespmem:s28+$0x14010] =	vst v4;
	v17 =	vld.idx.msk [tilespmem:v5+s18+$0x0], $0xffff  }
0x14f: {  	[tilespmem:s28+$0x14020] =	vst v6;
	v5 =	vld.idx.msk [tilespmem:v11+s18+$0x0], $0xffff  }
.Ltmp5:
0x150: {  	[tilespmem:s28+$0x14030] =	vst v7;
	v3 =	vld.idx.msk [tilespmem:v12+s18+$0x0], $0xffff;
	(pc) =	sbr.rel @p0 .LBB2_12-.Ltmp5, $4  }
0x151: {  	[tilespmem:s28+$0x14040] =	vst v8;
	v4 =	vld.idx.msk [tilespmem:v13+s18+$0x0], $0xffff  }
0x152: {  	[tilespmem:s28+$0x14050] =	vst v9;
	v6 =	vld.idx.msk [tilespmem:v14+s18+$0x0], $0xffff  }
0x153: {  	[tilespmem:s28+$0x14060] =	vst v10;
	v7 =	vld.idx.msk [tilespmem:v15+s18+$0x0], $0xffff  }
0x154: {  	s30 =	sadd.s32 $0x400, s30;
	[tilespmem:s28+$0x14070] =	vst v17;
	v8 =	vld.idx.msk [tilespmem:v16+s18+$0x0], $0xffff  }
0x155: {  	_ =	sdelay $0x2  }
0x156: {  	[tilespmem:s28+$0x14080] =	vst v5  }
0x157: {  	v2 =	vld.idx.msk [tilespmem:v2+s18+$0x0], $0xffff;
	[tilespmem:s28+$0x14090] =	vst v3  }
0x158: {  	[tilespmem:s28+$0x140A0] =	vst v4  }
0x159: {  	[tilespmem:s28+$0x140B0] =	vst v6  }
0x15a: {  	[tilespmem:s28+$0x140C0] =	vst v7  }
0x15b: {  	[tilespmem:s28+$0x140D0] =	vst v8  }
0x15c: {  	s0 =	simm.s32 $0x18020;
	[tilespmem:s28+$0x140E0] =	vst v2  }
0x15d: {  	[hbm4b:s8+s12] =	stream.strided.scatter [tilespmem:s21], [sflag:$0x5], $0x4000, s13, s12, $0x38;
	[tilespmem:$0x18400] =	vst v63  }
0x15e: {  	[tilespmem:s0+$0xFFFFFFE0] =	vst v0  }
0x15f: {  	[tilespmem:s0+$0x10] =	vst v0  }
0x160: {  	s1 =	simm.s32 $0x0;
	[tilespmem:s0+$0x0] =	vst v0  }
.LBB2_14:
0x161: {  	s1 =	sadd.s32 $0x40, s1  }
0x162: {  	[tilespmem:s0+$0xFFFFFFF0] =	vst v0;
	s0 =	sadd.s32 $0x40, s0;
	p0 =	slt.u32 s1, $0x3C0  }
.Ltmp6:
0x163: {  	[tilespmem:s0+$0xFFFFFFE0] =	vst v0;
	(pc) =	sbr.rel @p0 .LBB2_14-.Ltmp6, $3  }
0x164: {  	_ =	sdelay $0x1  }
0x165: {  	[tilespmem:s0+$0x10] =	vst v0  }
0x166: {  	[tilespmem:s0+$0x0] =	vst v0  }
0x167: {  	[tilespmem:s0+$0xFFFFFFF0] =	vst v0  }
0x168: {  	_ =	swait.ge [sflag:s22], $0x4000  }
0x169: {  	[sflag:s22] =	ssyncset.done $0x0  }
0x16a: {  	s28 =	simm.s32 $0x8080;
	[sflag:s22] =	ssyncadd.s32 $0xFFFFC000  }
0x16b: {  	v3 =	vld [tilespmem:s28+$0x30]  }
0x16c: {  	v4 =	vld [tilespmem:s28+$0x40]  }
0x16d: {  	v2 =	vld [tilespmem:s28+$0xFFFFFF80]  }
0x16e: {  	v5 =	vld [tilespmem:s28+$0x70]  }
0x16f: {  	v6 =	vld [tilespmem:s28+$0xFFFFFFD0]  }
0x170: {  	v7 =	vld [tilespmem:s28+$0xFFFFFFE0]  }
0x171: {  	v8 =	vld [tilespmem:s28+$0xFFFFFFF0]  }
0x172: {  	v9 =	vld [tilespmem:s28+$0x0]  }
0x173: {  	v10 =	vld [tilespmem:s28+$0x60]  }
0x174: {  	v11 =	vld [tilespmem:s28+$0x50]  }
0x175: {  	v62 =	vld [tilespmem:s28+$0xFFFFFFA0]  }
0x176: {  	v12 =	vld [tilespmem:s28+$0x20]  }
0x177: {  	v13 =	vld [tilespmem:s28+$0x10]  }
0x178: {  	v63 =	vld [tilespmem:s28+$0xFFFFFFB0]  }
0x179: {  	[tilespmem:v2+s18+$0x0] =	vst.idx.add.f32.msk $0xffff, v1  }
0x17a: {  	[tilespmem:v5+s18+$0x0] =	vst.idx.add.f32.msk $0xffff, v1  }
0x17b: {  	v2 =	vld [tilespmem:s28+$0xFFFFFF90]  }
0x17c: {  	[tilespmem:v10+s18+$0x0] =	vst.idx.add.f32.msk $0xffff, v1  }
0x17d: {  	[tilespmem:v11+s18+$0x0] =	vst.idx.add.f32.msk $0xffff, v1  }
0x17e: {  	[tilespmem:v4+s18+$0x0] =	vst.idx.add.f32.msk $0xffff, v1  }
0x17f: {  	[tilespmem:v3+s18+$0x0] =	vst.idx.add.f32.msk $0xffff, v1  }
0x180: {  	v3 =	vld [tilespmem:s28+$0xFFFFFFC0]  }
0x181: {  	[tilespmem:v12+s18+$0x0] =	vst.idx.add.f32.msk $0xffff, v1  }
0x182: {  	[tilespmem:v13+s18+$0x0] =	vst.idx.add.f32.msk $0xffff, v1  }
0x183: {  	[tilespmem:v9+s18+$0x0] =	vst.idx.add.f32.msk $0xffff, v1  }
0x184: {  	[tilespmem:v8+s18+$0x0] =	vst.idx.add.f32.msk $0xffff, v1  }
0x185: {  	[tilespmem:v7+s18+$0x0] =	vst.idx.add.f32.msk $0xffff, v1  }
0x186: {  	[tilespmem:v6+s18+$0x0] =	vst.idx.add.f32.msk $0xffff, v1  }
0x187: {  	[tilespmem:v63+s18+$0x0] =	vst.idx.add.f32.msk $0xffff, v1  }
0x188: {  	[tilespmem:v62+s18+$0x0] =	vst.idx.add.f32.msk $0xffff, v1  }
0x189: {  	s29 =	simm.s32 $0x0;
	[tilespmem:v3+s18+$0x0] =	vst.idx.add.f32.msk $0xffff, v1  }
.LBB2_16:
0x18a: {  	s29 =	sadd.s32 $0x100, s29;
	[tilespmem:v2+s18+$0x0] =	vst.idx.add.f32.msk $0xffff, v1;
	s28 =	sadd.s32 $0x100, s28  }
0x18b: {  	v3 =	vld [tilespmem:s28+$0x30];
	p0 =	slt.u32 s29, $0x3F00  }
0x18c: {  	v4 =	vld [tilespmem:s28+$0x40]  }
0x18d: {  	v2 =	vld [tilespmem:s28+$0xFFFFFF80]  }
0x18e: {  	v5 =	vld [tilespmem:s28+$0x70]  }
0x18f: {  	v6 =	vld [tilespmem:s28+$0xFFFFFFD0]  }
0x190: {  	v7 =	vld [tilespmem:s28+$0xFFFFFFE0]  }
0x191: {  	v8 =	vld [tilespmem:s28+$0xFFFFFFF0]  }
0x192: {  	v9 =	vld [tilespmem:s28+$0x0]  }
0x193: {  	v10 =	vld [tilespmem:s28+$0x60]  }
0x194: {  	v11 =	vld [tilespmem:s28+$0x50]  }
0x195: {  	[tilespmem:v2+s18+$0x0] =	vst.idx.add.f32.msk $0xffff, v1  }
0x196: {  	[tilespmem:v5+s18+$0x0] =	vst.idx.add.f32.msk $0xffff, v1  }
0x197: {  	v2 =	vld [tilespmem:s28+$0xFFFFFF90]  }
0x198: {  	v5 =	vld [tilespmem:s28+$0xFFFFFFA0]  }
0x199: {  	v12 =	vld [tilespmem:s28+$0x20]  }
0x19a: {  	v13 =	vld [tilespmem:s28+$0x10]  }
0x19b: {  	[tilespmem:v10+s18+$0x0] =	vst.idx.add.f32.msk $0xffff, v1  }
0x19c: {  	[tilespmem:v11+s18+$0x0] =	vst.idx.add.f32.msk $0xffff, v1  }
0x19d: {  	[tilespmem:v4+s18+$0x0] =	vst.idx.add.f32.msk $0xffff, v1  }
0x19e: {  	[tilespmem:v3+s18+$0x0] =	vst.idx.add.f32.msk $0xffff, v1  }
0x19f: {  	v3 =	vld [tilespmem:s28+$0xFFFFFFC0]  }
0x1a0: {  	v4 =	vld [tilespmem:s28+$0xFFFFFFB0]  }
0x1a1: {  	[tilespmem:v12+s18+$0x0] =	vst.idx.add.f32.msk $0xffff, v1  }
0x1a2: {  	[tilespmem:v13+s18+$0x0] =	vst.idx.add.f32.msk $0xffff, v1  }
0x1a3: {  	[tilespmem:v9+s18+$0x0] =	vst.idx.add.f32.msk $0xffff, v1  }
0x1a4: {  	[tilespmem:v8+s18+$0x0] =	vst.idx.add.f32.msk $0xffff, v1  }
.Ltmp7:
0x1a5: {  	[tilespmem:v7+s18+$0x0] =	vst.idx.add.f32.msk $0xffff, v1;
	(pc) =	sbr.rel @p0 .LBB2_16-.Ltmp7, $4  }
0x1a6: {  	[tilespmem:v6+s18+$0x0] =	vst.idx.add.f32.msk $0xffff, v1  }
0x1a7: {  	[tilespmem:v3+s18+$0x0] =	vst.idx.add.f32.msk $0xffff, v1  }
0x1a8: {  	[tilespmem:v4+s18+$0x0] =	vst.idx.add.f32.msk $0xffff, v1  }
0x1a9: {  	[tilespmem:v5+s18+$0x0] =	vst.idx.add.f32.msk $0xffff, v1  }
0x1aa: {  	_ =	sdelay $0x3  }
0x1ab: {  	[tilespmem:v2+s18+$0x0] =	vst.idx.add.f32.msk $0xffff, v1  }
0x1ac: {  	_ =	swait.ge [sflag:s23], $0x4000  }
0x1ad: {  	[sflag:s23] =	ssyncset.done $0x0  }
0x1ae: {  	s28 =	simm.s32 $0xC0F0;
	[sflag:s23] =	ssyncadd.s32 $0xFFFFC000  }
0x1af: {  	v3 =	vld [tilespmem:s28+$0xFFFFFF30]  }
0x1b0: {  	v4 =	vld [tilespmem:s28+$0xFFFFFF10]  }
0x1b1: {  	v5 =	vld [tilespmem:s28+$0xFFFFFFC0]  }
0x1b2: {  	v6 =	vld [tilespmem:s28+$0xFFFFFFA0]  }
0x1b3: {  	v7 =	vld [tilespmem:s28+$0xFFFFFFB0]  }
0x1b4: {  	v8 =	vld [tilespmem:s28+$0x0]  }
0x1b5: {  	v9 =	vld [tilespmem:s28+$0xFFFFFFF0]  }
0x1b6: {  	v10 =	vld [tilespmem:s28+$0xFFFFFFE0]  }
0x1b7: {  	v2 =	vld [tilespmem:s28+$0xFFFFFF20]  }
0x1b8: {  	v60 =	vld [tilespmem:s28+$0xFFFFFF40]  }
0x1b9: {  	v11 =	vld [tilespmem:s28+$0xFFFFFF50]  }
0x1ba: {  	v12 =	vld [tilespmem:s28+$0xFFFFFFD0]  }
0x1bb: {  	v61 =	vld [tilespmem:s28+$0xFFFFFF90]  }
0x1bc: {  	v62 =	vld [tilespmem:s28+$0xFFFFFF80]  }
0x1bd: {  	v63 =	vld [tilespmem:s28+$0xFFFFFF70]  }
0x1be: {  	v13 =	vld [tilespmem:s28+$0xFFFFFF60]  }
0x1bf: {  	[tilespmem:v4+s18+$0x0] =	vst.idx.add.f32.msk $0xffff, v1  }
0x1c0: {  	[tilespmem:v8+s18+$0x0] =	vst.idx.add.f32.msk $0xffff, v1  }
0x1c1: {  	[tilespmem:v9+s18+$0x0] =	vst.idx.add.f32.msk $0xffff, v1  }
0x1c2: {  	[tilespmem:v10+s18+$0x0] =	vst.idx.add.f32.msk $0xffff, v1  }
0x1c3: {  	[tilespmem:v12+s18+$0x0] =	vst.idx.add.f32.msk $0xffff, v1  }
0x1c4: {  	[tilespmem:v5+s18+$0x0] =	vst.idx.add.f32.msk $0xffff, v1  }
0x1c5: {  	[tilespmem:v7+s18+$0x0] =	vst.idx.add.f32.msk $0xffff, v1  }
0x1c6: {  	[tilespmem:v6+s18+$0x0] =	vst.idx.add.f32.msk $0xffff, v1  }
0x1c7: {  	[tilespmem:v61+s18+$0x0] =	vst.idx.add.f32.msk $0xffff, v1  }
0x1c8: {  	[tilespmem:v62+s18+$0x0] =	vst.idx.add.f32.msk $0xffff, v1  }
0x1c9: {  	[tilespmem:v63+s18+$0x0] =	vst.idx.add.f32.msk $0xffff, v1  }
0x1ca: {  	[tilespmem:v13+s18+$0x0] =	vst.idx.add.f32.msk $0xffff, v1  }
0x1cb: {  	[tilespmem:v11+s18+$0x0] =	vst.idx.add.f32.msk $0xffff, v1  }
0x1cc: {  	[tilespmem:v60+s18+$0x0] =	vst.idx.add.f32.msk $0xffff, v1  }
0x1cd: {  	s30 =	simm.s32 $0x4000;
	[tilespmem:v3+s18+$0x0] =	vst.idx.add.f32.msk $0xffff, v1  }
.LBB2_18:
0x1ce: {  	s30 =	sadd.s32 $0x100, s30;
	[tilespmem:v2+s18+$0x0] =	vst.idx.add.f32.msk $0xffff, v1;
	s28 =	sadd.s32 $0x100, s28  }
0x1cf: {  	v3 =	vld [tilespmem:s28+$0xFFFFFF30];
	p0 =	slt.u32 s30, $0x7F00  }
0x1d0: {  	v4 =	vld [tilespmem:s28+$0xFFFFFF10]  }
0x1d1: {  	v5 =	vld [tilespmem:s28+$0xFFFFFFC0]  }
0x1d2: {  	v6 =	vld [tilespmem:s28+$0xFFFFFFA0]  }
0x1d3: {  	v7 =	vld [tilespmem:s28+$0xFFFFFFB0]  }
0x1d4: {  	v8 =	vld [tilespmem:s28+$0x0]  }
0x1d5: {  	v9 =	vld [tilespmem:s28+$0xFFFFFFF0]  }
0x1d6: {  	v10 =	vld [tilespmem:s28+$0xFFFFFFE0]  }
0x1d7: {  	v2 =	vld [tilespmem:s28+$0xFFFFFF20]  }
0x1d8: {  	[tilespmem:v4+s18+$0x0] =	vst.idx.add.f32.msk $0xffff, v1  }
0x1d9: {  	v4 =	vld [tilespmem:s28+$0xFFFFFF40]  }
0x1da: {  	v11 =	vld [tilespmem:s28+$0xFFFFFF50]  }
0x1db: {  	v12 =	vld [tilespmem:s28+$0xFFFFFFD0]  }
0x1dc: {  	[tilespmem:v8+s18+$0x0] =	vst.idx.add.f32.msk $0xffff, v1  }
0x1dd: {  	[tilespmem:v9+s18+$0x0] =	vst.idx.add.f32.msk $0xffff, v1  }
0x1de: {  	[tilespmem:v10+s18+$0x0] =	vst.idx.add.f32.msk $0xffff, v1  }
0x1df: {  	v8 =	vld [tilespmem:s28+$0xFFFFFF90]  }
0x1e0: {  	v9 =	vld [tilespmem:s28+$0xFFFFFF80]  }
0x1e1: {  	v10 =	vld [tilespmem:s28+$0xFFFFFF70]  }
0x1e2: {  	v13 =	vld [tilespmem:s28+$0xFFFFFF60]  }
0x1e3: {  	[tilespmem:v12+s18+$0x0] =	vst.idx.add.f32.msk $0xffff, v1  }
0x1e4: {  	[tilespmem:v5+s18+$0x0] =	vst.idx.add.f32.msk $0xffff, v1  }
0x1e5: {  	[tilespmem:v7+s18+$0x0] =	vst.idx.add.f32.msk $0xffff, v1  }
0x1e6: {  	[tilespmem:v6+s18+$0x0] =	vst.idx.add.f32.msk $0xffff, v1  }
0x1e7: {  	[tilespmem:v8+s18+$0x0] =	vst.idx.add.f32.msk $0xffff, v1  }
0x1e8: {  	[tilespmem:v9+s18+$0x0] =	vst.idx.add.f32.msk $0xffff, v1  }
.Ltmp8:
0x1e9: {  	[tilespmem:v10+s18+$0x0] =	vst.idx.add.f32.msk $0xffff, v1;
	(pc) =	sbr.rel @p0 .LBB2_18-.Ltmp8, $4  }
0x1ea: {  	[tilespmem:v13+s18+$0x0] =	vst.idx.add.f32.msk $0xffff, v1  }
0x1eb: {  	[tilespmem:v11+s18+$0x0] =	vst.idx.add.f32.msk $0xffff, v1  }
0x1ec: {  	[tilespmem:v4+s18+$0x0] =	vst.idx.add.f32.msk $0xffff, v1  }
0x1ed: {  	s29 =	simm.s32 $0x18020;
	[tilespmem:v3+s18+$0x0] =	vst.idx.add.f32.msk $0xffff, v1  }
0x1ee: {  	_ =	sdelay $0x3  }
0x1ef: {  	[tilespmem:v2+s18+$0x0] =	vst.idx.add.f32.msk $0xffff, v1  }
0x1f0: {  	v2 =	vld [tilespmem:s29+$0xFFFFFFE0]  }
0x1f1: {  	v3 =	vld [tilespmem:s29+$0x10]  }
0x1f2: {  	v4 =	vld [tilespmem:s29+$0x0];
	_ =	sdelay $0x1  }
0x1f3: {  	v5 =	vld [tilespmem:s29+$0xFFFFFFF0]  }
0x1f4: {  	(erf) = vrcp.f32 v2  }
0x1f5: {  	s28 =	simm.s32 $0x18060;
	(erf) = vrcp.f32 v3  }
0x1f6: {  	v2 =	vld [tilespmem:s28+$0xFFFFFFE0];
	(erf) = vrcp.f32 v4  }
0x1f7: {  	v3 =	vld [tilespmem:s28+$0x10]  }
0x1f8: {  	v4 =	vld [tilespmem:s28+$0x0];
	(erf) = vrcp.f32 v5  }
0x1f9: {  	s30 =	simm.s32 $0x180A0;
	v5 =	vld [tilespmem:s28+$0xFFFFFFF0]  }
0x1fa: {  	v6 =	vld [tilespmem:s30+$0xFFFFFFE0]  }
0x1fb: {  	(erf) = vrcp.f32 v2  }
0x1fc: {  	(erf) = vrcp.f32 v3  }
0x1fd: {  	v3 =	vpop (erf);
	(erf) = vrcp.f32 v4  }
0x1fe: {  	v2 =	vld [tilespmem:s30+$0x10];
	v4 =	vpop (erf);
	(erf) = vrcp.f32 v5  }
0x1ff: {  	[tilespmem:s29+$0xFFFFFFE0] =	vst v3;
	v3 =	vld [tilespmem:s30+$0x0];
	v5 =	vpop (erf);
	(erf) = vrcp.f32 v6  }
0x200: {  	[tilespmem:s29+$0x10] =	vst v4;
	v4 =	vld [tilespmem:s30+$0xFFFFFFF0]  }
0x201: {  	s0 =	simm.s32 $0x80;
	s1 =	simm.s32 $0x180E0;
	[tilespmem:s29+$0x0] =	vst v5;
	v5 =	vpop (erf)  }
.LBB2_20:
0x202: {  	s0 =	sadd.s32 $0x40, s0  }
0x203: {  	v6 =	vld [tilespmem:s1+$0xFFFFFFE0];
	(erf) = vrcp.f32 v2;
	[tilespmem:s29+$0xFFFFFFF0] =	vst v5;
	s29 =	smov.u32 s28;
	s28 =	smov.u32 s30;
	p0 =	slt.u32 s0, $0x3C0  }
.Ltmp9:
0x204: {  	s30 =	smov.u32 s1;
	v2 =	vld [tilespmem:s1+$0x10];
	(erf) = vrcp.f32 v3;
	(pc) =	sbr.rel @p0 .LBB2_20-.Ltmp9, $4  }
0x205: {  	v3 =	vld [tilespmem:s1+$0x0];
	(erf) = vrcp.f32 v4;
	v5 =	vpop (erf)  }
0x206: {  	v4 =	vld [tilespmem:s1+$0xFFFFFFF0];
	[tilespmem:s29+$0xFFFFFFE0] =	vst v5;
	v5 =	vpop (erf)  }
0x207: {  	[tilespmem:s29+$0x10] =	vst v5;
	v5 =	vpop (erf)  }
0x208: {  	s1 =	sadd.s32 $0x40, s1;
	(erf) = vrcp.f32 v6;
	[tilespmem:s29+$0x0] =	vst v5;
	v5 =	vpop (erf)  }
0x209: {  	(erf) = vrcp.f32 v2  }
0x20a: {  	(erf) = vrcp.f32 v3  }
0x20b: {  	(erf) = vrcp.f32 v4;
	_ =	sdelay $0x1  }
0x20c: {  	[tilespmem:s29+$0xFFFFFFF0] =	vst v5;
	v2 =	vpop (erf)  }
0x20d: {  	[tilespmem:s28+$0xFFFFFFE0] =	vst v2;
	v2 =	vpop (erf)  }
0x20e: {  	[tilespmem:s28+$0x10] =	vst v2;
	v2 =	vpop (erf)  }
0x20f: {  	[tilespmem:s28+$0x0] =	vst v2;
	v2 =	vpop (erf)  }
0x210: {  	[tilespmem:s28+$0xFFFFFFF0] =	vst v2;
	v2 =	vpop (erf)  }
0x211: {  	[tilespmem:s30+$0xFFFFFFE0] =	vst v2;
	v2 =	vpop (erf)  }
0x212: {  	[tilespmem:s30+$0x10] =	vst v2;
	v2 =	vpop (erf)  }
0x213: {  	[tilespmem:s30+$0x0] =	vst v2;
	v2 =	vpop (erf)  }
0x214: {  	[tilespmem:s30+$0xFFFFFFF0] =	vst v2  }
0x215: {  	_ =	swait.ge [sflag:s24], $0x4000  }
0x216: {  	[sflag:s24] =	ssyncset.done $0x0  }
0x217: {  	[sflag:s24] =	ssyncadd.s32 $0xFFFFC000  }
0x218: {  	_ =	swait.ge [sflag:s24], $0x4000  }
0x219: {  	[sflag:s24] =	ssyncset.done $0x0  }
0x21a: {  	s0 =	simm.s32 $0x8080;
	[sflag:s24] =	ssyncadd.s32 $0xFFFFC000  }
0x21b: {  	v2 =	vld [tilespmem:s0+$0x70]  }
0x21c: {  	v3 =	vld [tilespmem:s0+$0xFFFFFF90]  }
0x21d: {  	v4 =	vld [tilespmem:s0+$0xFFFFFFA0]  }
0x21e: {  	v5 =	vld [tilespmem:s0+$0xFFFFFFB0]  }
0x21f: {  	v6 =	vld [tilespmem:s0+$0xFFFFFFC0]  }
0x220: {  	v7 =	vld [tilespmem:s0+$0xFFFFFFD0]  }
0x221: {  	v8 =	vld [tilespmem:s0+$0xFFFFFFE0]  }
0x222: {  	v9 =	vld [tilespmem:s0+$0xFFFFFFF0]  }
0x223: {  	v10 =	vld [tilespmem:s0+$0x0]  }
0x224: {  	v11 =	vld [tilespmem:s0+$0x10]  }
0x225: {  	v12 =	vld [tilespmem:s0+$0x20]  }
0x226: {  	v13 =	vld [tilespmem:s0+$0x30]  }
0x227: {  	v14 =	vld [tilespmem:s0+$0x40]  }
0x228: {  	v15 =	vld [tilespmem:s0+$0x50]  }
0x229: {  	v16 =	vld [tilespmem:s0+$0x60]  }
0x22a: {  	v17 =	vld [tilespmem:s0+$0xFFFFFF80]  }
0x22b: {  	v2 =	vld.idx.msk [tilespmem:v2+s18+$0x0], $0xffff  }
0x22c: {  	v3 =	vld.idx.msk [tilespmem:v3+s18+$0x0], $0xffff  }
0x22d: {  	v4 =	vld.idx.msk [tilespmem:v4+s18+$0x0], $0xffff  }
0x22e: {  	v5 =	vld.idx.msk [tilespmem:v5+s18+$0x0], $0xffff  }
0x22f: {  	v6 =	vld.idx.msk [tilespmem:v6+s18+$0x0], $0xffff  }
0x230: {  	s28 =	simm.s32 $0x10080;
	v7 =	vld.idx.msk [tilespmem:v7+s18+$0x0], $0xffff  }
0x231: {  	v8 =	vld.idx.msk [tilespmem:v8+s18+$0x0], $0xffff;
	[tilespmem:s28+$0x70] =	vst v2  }
0x232: {  	v9 =	vld.idx.msk [tilespmem:v9+s18+$0x0], $0xffff;
	[tilespmem:s28+$0xFFFFFF90] =	vst v3  }
0x233: {  	v17 =	vld.idx.msk [tilespmem:v17+s18+$0x0], $0xffff;
	[tilespmem:s28+$0xFFFFFFA0] =	vst v4  }
0x234: {  	v10 =	vld.idx.msk [tilespmem:v10+s18+$0x0], $0xffff;
	[tilespmem:s28+$0xFFFFFFB0] =	vst v5  }
0x235: {  	[tilespmem:s28+$0xFFFFFFC0] =	vst v6;
	v2 =	vld.idx.msk [tilespmem:v11+s18+$0x0], $0xffff  }
0x236: {  	[tilespmem:s28+$0xFFFFFFD0] =	vst v7;
	v3 =	vld.idx.msk [tilespmem:v12+s18+$0x0], $0xffff  }
0x237: {  	[tilespmem:s28+$0xFFFFFFE0] =	vst v8;
	v4 =	vld.idx.msk [tilespmem:v13+s18+$0x0], $0xffff  }
0x238: {  	[tilespmem:s28+$0xFFFFFFF0] =	vst v9;
	v5 =	vld.idx.msk [tilespmem:v14+s18+$0x0], $0xffff  }
0x239: {  	[tilespmem:s28+$0xFFFFFF80] =	vst v17;
	v6 =	vld.idx.msk [tilespmem:v15+s18+$0x0], $0xffff  }
0x23a: {  	s29 =	simm.s32 $0x0;
	s30 =	simm.s32 $0x8180;
	[tilespmem:s28+$0x0] =	vst v10;
	v7 =	vld.idx.msk [tilespmem:v16+s18+$0x0], $0xffff  }
.LBB2_22:
0x23b: {  	v8 =	vld [tilespmem:s30+$0x70];
	s29 =	sadd.s32 $0x100, s29;
	[tilespmem:s28+$0x10] =	vst v2  }
0x23c: {  	v2 =	vld [tilespmem:s30+$0xFFFFFF90];
	p0 =	slt.u32 s29, $0x3F00;
	[tilespmem:s28+$0x20] =	vst v3  }
0x23d: {  	v3 =	vld [tilespmem:s30+$0xFFFFFFA0];
	[tilespmem:s28+$0x30] =	vst v4  }
0x23e: {  	v4 =	vld [tilespmem:s30+$0xFFFFFFB0];
	[tilespmem:s28+$0x40] =	vst v5  }
0x23f: {  	v5 =	vld [tilespmem:s30+$0xFFFFFFC0];
	[tilespmem:s28+$0x50] =	vst v6  }
0x240: {  	v6 =	vld [tilespmem:s30+$0xFFFFFFD0];
	[tilespmem:s28+$0x60] =	vst v7  }
0x241: {  	v7 =	vld [tilespmem:s30+$0xFFFFFFE0]  }
0x242: {  	v9 =	vld [tilespmem:s30+$0xFFFFFFF0]  }
0x243: {  	v8 =	vld.idx.msk [tilespmem:v8+s18+$0x0], $0xffff  }
0x244: {  	v10 =	vld [tilespmem:s30+$0x0]  }
0x245: {  	v11 =	vld [tilespmem:s30+$0x10]  }
0x246: {  	v12 =	vld [tilespmem:s30+$0x20]  }
0x247: {  	v13 =	vld [tilespmem:s30+$0x30]  }
0x248: {  	s28 =	sadd.s32 $0x100, s28;
	v14 =	vld [tilespmem:s30+$0x40]  }
0x249: {  	v15 =	vld [tilespmem:s30+$0x50];
	[tilespmem:s28+$0x70] =	vst v8  }
0x24a: {  	v8 =	vld [tilespmem:s30+$0x60]  }
0x24b: {  	v16 =	vld [tilespmem:s30+$0xFFFFFF80]  }
0x24c: {  	v2 =	vld.idx.msk [tilespmem:v2+s18+$0x0], $0xffff  }
0x24d: {  	v3 =	vld.idx.msk [tilespmem:v3+s18+$0x0], $0xffff  }
0x24e: {  	v4 =	vld.idx.msk [tilespmem:v4+s18+$0x0], $0xffff  }
0x24f: {  	v5 =	vld.idx.msk [tilespmem:v5+s18+$0x0], $0xffff  }
0x250: {  	v6 =	vld.idx.msk [tilespmem:v6+s18+$0x0], $0xffff  }
0x251: {  	v7 =	vld.idx.msk [tilespmem:v7+s18+$0x0], $0xffff  }
0x252: {  	[tilespmem:s28+$0xFFFFFF90] =	vst v2;
	v9 =	vld.idx.msk [tilespmem:v9+s18+$0x0], $0xffff  }
0x253: {  	v16 =	vld.idx.msk [tilespmem:v16+s18+$0x0], $0xffff;
	[tilespmem:s28+$0xFFFFFFA0] =	vst v3  }
0x254: {  	[tilespmem:s28+$0xFFFFFFB0] =	vst v4;
	v10 =	vld.idx.msk [tilespmem:v10+s18+$0x0], $0xffff  }
0x255: {  	[tilespmem:s28+$0xFFFFFFC0] =	vst v5;
	v2 =	vld.idx.msk [tilespmem:v11+s18+$0x0], $0xffff  }
.Ltmp10:
0x256: {  	[tilespmem:s28+$0xFFFFFFD0] =	vst v6;
	v3 =	vld.idx.msk [tilespmem:v12+s18+$0x0], $0xffff;
	(pc) =	sbr.rel @p0 .LBB2_22-.Ltmp10, $4  }
0x257: {  	[tilespmem:s28+$0xFFFFFFE0] =	vst v7;
	v4 =	vld.idx.msk [tilespmem:v13+s18+$0x0], $0xffff  }
0x258: {  	[tilespmem:s28+$0xFFFFFFF0] =	vst v9;
	v5 =	vld.idx.msk [tilespmem:v14+s18+$0x0], $0xffff  }
0x259: {  	[tilespmem:s28+$0xFFFFFF80] =	vst v16;
	v6 =	vld.idx.msk [tilespmem:v15+s18+$0x0], $0xffff  }
0x25a: {  	s30 =	sadd.s32 $0x100, s30;
	[tilespmem:s28+$0x0] =	vst v10;
	v7 =	vld.idx.msk [tilespmem:v8+s18+$0x0], $0xffff  }
0x25b: {  	[tilespmem:s28+$0x10] =	vst v2  }
0x25c: {  	[tilespmem:s28+$0x20] =	vst v3  }
0x25d: {  	[tilespmem:s28+$0x30] =	vst v4  }
0x25e: {  	[tilespmem:s28+$0x40] =	vst v5  }
0x25f: {  	[tilespmem:s28+$0x50] =	vst v6  }
0x260: {  	[tilespmem:s28+$0x60] =	vst v7;
	s28 =	simm.s32 $0x0  }
0x261: {  	[hbm4b:s9+s12] =	stream.strided.scatter [tilespmem:s20], [sflag:$0x6], $0x4000, s13, s12, $0x38;
	[tilespmem:$0x18400] =	vst v63  }
0x262: {  	v2 =	vld [tilespmem:s28+$0xC0F0]  }
0x263: {  	v3 =	vld [tilespmem:s28+$0xC000]  }
0x264: {  	v4 =	vld [tilespmem:s28+$0xC010]  }
0x265: {  	v5 =	vld [tilespmem:s28+$0xC020]  }
0x266: {  	v6 =	vld [tilespmem:s28+$0xC030]  }
0x267: {  	v7 =	vld [tilespmem:s28+$0xC040]  }
0x268: {  	v8 =	vld [tilespmem:s28+$0xC050]  }
0x269: {  	v9 =	vld [tilespmem:s28+$0xC060]  }
0x26a: {  	v11 =	vld [tilespmem:s28+$0xC070]  }
0x26b: {  	v12 =	vld [tilespmem:s28+$0xC080]  }
0x26c: {  	v13 =	vld [tilespmem:s28+$0xC090]  }
0x26d: {  	v14 =	vld [tilespmem:s28+$0xC0A0]  }
0x26e: {  	v15 =	vld [tilespmem:s28+$0xC0B0]  }
0x26f: {  	v16 =	vld [tilespmem:s28+$0xC0C0]  }
0x270: {  	v17 =	vld [tilespmem:s28+$0xC0D0]  }
0x271: {  	v10 =	vld.idx.msk [tilespmem:v2+s18+$0x0], $0xffff  }
0x272: {  	v2 =	vld [tilespmem:s28+$0xC0E0]  }
0x273: {  	v3 =	vld.idx.msk [tilespmem:v3+s18+$0x0], $0xffff  }
0x274: {  	v4 =	vld.idx.msk [tilespmem:v4+s18+$0x0], $0xffff  }
0x275: {  	v5 =	vld.idx.msk [tilespmem:v5+s18+$0x0], $0xffff  }
0x276: {  	v6 =	vld.idx.msk [tilespmem:v6+s18+$0x0], $0xffff  }
0x277: {  	v7 =	vld.idx.msk [tilespmem:v7+s18+$0x0], $0xffff  }
0x278: {  	v8 =	vld.idx.msk [tilespmem:v8+s18+$0x0], $0xffff;
	[tilespmem:s28+$0x140F0] =	vst v10  }
0x279: {  	v9 =	vld.idx.msk [tilespmem:v9+s18+$0x0], $0xffff;
	[tilespmem:s28+$0x14000] =	vst v3  }
0x27a: {  	[tilespmem:s28+$0x14010] =	vst v4;
	v10 =	vld.idx.msk [tilespmem:v11+s18+$0x0], $0xffff  }
0x27b: {  	[tilespmem:s28+$0x14020] =	vst v5;
	v5 =	vld.idx.msk [tilespmem:v12+s18+$0x0], $0xffff  }
0x27c: {  	[tilespmem:s28+$0x14030] =	vst v6;
	v3 =	vld.idx.msk [tilespmem:v13+s18+$0x0], $0xffff  }
0x27d: {  	[tilespmem:s28+$0x14040] =	vst v7;
	v4 =	vld.idx.msk [tilespmem:v14+s18+$0x0], $0xffff  }
0x27e: {  	[tilespmem:s28+$0x14050] =	vst v8;
	v6 =	vld.idx.msk [tilespmem:v15+s18+$0x0], $0xffff  }
0x27f: {  	[tilespmem:s28+$0x14060] =	vst v9;
	v7 =	vld.idx.msk [tilespmem:v16+s18+$0x0], $0xffff  }
0x280: {  	s29 =	simm.s32 $0x4000;
	s30 =	simm.s32 $0x400;
	v8 =	vld.idx.msk [tilespmem:v17+s18+$0x0], $0xffff;
	[tilespmem:s28+$0x14070] =	vst v10  }
.LBB2_24:
0x281: {  	s0 =	sshra.s32 s30, $0x2;
	s29 =	sadd.s32 $0x100, s29;
	[tilespmem:s28+$0x14080] =	vst v5;
	v2 =	vld.idx.msk [tilespmem:v2+s18+$0x0], $0xffff  }
0x282: {  	v5 =	vld [tilespmem:s0+$0xC0F0];
	p0 =	slt.u32 s29, $0x7F00;
	[tilespmem:s28+$0x14090] =	vst v3  }
0x283: {  	v3 =	vld [tilespmem:s0+$0xC000];
	[tilespmem:s28+$0x140A0] =	vst v4  }
0x284: {  	v4 =	vld [tilespmem:s0+$0xC010];
	[tilespmem:s28+$0x140B0] =	vst v6  }
0x285: {  	v6 =	vld [tilespmem:s0+$0xC020];
	[tilespmem:s28+$0x140C0] =	vst v7  }
0x286: {  	v7 =	vld [tilespmem:s0+$0xC030];
	[tilespmem:s28+$0x140D0] =	vst v8  }
0x287: {  	v8 =	vld [tilespmem:s0+$0xC040];
	[tilespmem:s28+$0x140E0] =	vst v2;
	s28 =	smov.u32 s0  }
0x288: {  	v9 =	vld [tilespmem:s28+$0xC050]  }
0x289: {  	v10 =	vld [tilespmem:s28+$0xC060]  }
0x28a: {  	v2 =	vld.idx.msk [tilespmem:v5+s18+$0x0], $0xffff  }
0x28b: {  	v5 =	vld [tilespmem:s28+$0xC070]  }
0x28c: {  	v11 =	vld [tilespmem:s28+$0xC080]  }
0x28d: {  	v12 =	vld [tilespmem:s28+$0xC090]  }
0x28e: {  	v13 =	vld [tilespmem:s28+$0xC0A0]  }
0x28f: {  	v14 =	vld [tilespmem:s28+$0xC0B0]  }
0x290: {  	v15 =	vld [tilespmem:s28+$0xC0C0];
	[tilespmem:s28+$0x140F0] =	vst v2  }
0x291: {  	v16 =	vld [tilespmem:s28+$0xC0D0]  }
0x292: {  	v2 =	vld [tilespmem:s28+$0xC0E0]  }
0x293: {  	v3 =	vld.idx.msk [tilespmem:v3+s18+$0x0], $0xffff  }
0x294: {  	v4 =	vld.idx.msk [tilespmem:v4+s18+$0x0], $0xffff  }
0x295: {  	v6 =	vld.idx.msk [tilespmem:v6+s18+$0x0], $0xffff  }
0x296: {  	v7 =	vld.idx.msk [tilespmem:v7+s18+$0x0], $0xffff  }
0x297: {  	v8 =	vld.idx.msk [tilespmem:v8+s18+$0x0], $0xffff  }
0x298: {  	v9 =	vld.idx.msk [tilespmem:v9+s18+$0x0], $0xffff  }
0x299: {  	[tilespmem:s28+$0x14000] =	vst v3;
	v10 =	vld.idx.msk [tilespmem:v10+s18+$0x0], $0xffff  }
0x29a: {  	[tilespmem:s28+$0x14010] =	vst v4;
	v17 =	vld.idx.msk [tilespmem:v5+s18+$0x0], $0xffff  }
0x29b: {  	[tilespmem:s28+$0x14020] =	vst v6;
	v5 =	vld.idx.msk [tilespmem:v11+s18+$0x0], $0xffff  }
.Ltmp11:
0x29c: {  	[tilespmem:s28+$0x14030] =	vst v7;
	v3 =	vld.idx.msk [tilespmem:v12+s18+$0x0], $0xffff;
	(pc) =	sbr.rel @p0 .LBB2_24-.Ltmp11, $4  }
0x29d: {  	[tilespmem:s28+$0x14040] =	vst v8;
	v4 =	vld.idx.msk [tilespmem:v13+s18+$0x0], $0xffff  }
0x29e: {  	[tilespmem:s28+$0x14050] =	vst v9;
	v6 =	vld.idx.msk [tilespmem:v14+s18+$0x0], $0xffff  }
0x29f: {  	[tilespmem:s28+$0x14060] =	vst v10;
	v7 =	vld.idx.msk [tilespmem:v15+s18+$0x0], $0xffff  }
0x2a0: {  	s30 =	sadd.s32 $0x400, s30;
	[tilespmem:s28+$0x14070] =	vst v17;
	v8 =	vld.idx.msk [tilespmem:v16+s18+$0x0], $0xffff  }
0x2a1: {  	_ =	sdelay $0x2  }
0x2a2: {  	[tilespmem:s28+$0x14080] =	vst v5  }
0x2a3: {  	v2 =	vld.idx.msk [tilespmem:v2+s18+$0x0], $0xffff;
	[tilespmem:s28+$0x14090] =	vst v3  }
0x2a4: {  	[tilespmem:s28+$0x140A0] =	vst v4  }
0x2a5: {  	[tilespmem:s28+$0x140B0] =	vst v6  }
0x2a6: {  	[tilespmem:s28+$0x140C0] =	vst v7  }
0x2a7: {  	[tilespmem:s28+$0x140D0] =	vst v8  }
0x2a8: {  	s26 =	sadd.s32 $0x1, s26;
	[tilespmem:s28+$0x140E0] =	vst v2  }
0x2a9: {  	[hbm4b:s10+s12] =	stream.strided.scatter [tilespmem:s21], [sflag:$0x6], $0x4000, s13, s12, $0x38;
	[tilespmem:$0x18400] =	vst v63  }
0x2aa: {  	p0 =	sne.s32 s26, s11;
	_ =	swait.ge [sflag:s25], $0x4000  }
.Ltmp12:
0x2ab: {  	[sflag:s25] =	ssyncset.done $0x0;
	(pc) =	sbr.rel @p0 .LBB2_1-.Ltmp12, $4  }
0x2ac: {  	[sflag:s25] =	ssyncadd.s32 $0xFFFFC000  }
0x2ad: {  	_ =	swait.ge [sflag:s25], $0x4000  }
0x2ae: {  	[sflag:s25] =	ssyncset.done $0x0  }
0x2af: {  	[sflag:s25] =	ssyncadd.s32 $0xFFFFC000  }
0x2b0: {  	_ =	sfence.sel $0x180000  }
0x2b1: {  	[bflag:$0x0] =	sbarrier.arrive $0xFFFF  }
0x2b2: {  	_ =	strace $0x90000047  }
0x2b3: {  	s0 =	stileid.u32;
	[bflag:$0x2] =	sbarrier.arrive $0xFFFF  }
0x2b4: {  	p0 =	sne.s32 s0, $0x0;
	s0 =	rddreg [dreg:$0x2]  }
0x2b5: {  	s0 =	sadd.s32 @!p0 $0x100000, s0  }
0x2b6: {  	[sflag:s0] =	ssyncadd.tile.s32 @!p0 $0x1;
	_ =	shalt  }
.Lfunc_end2:
_tile_overlayer_lowered:
.L_overlay_start_2:
0x2b7: {  	(tag) =	ssettag $0x2  }
0x2b8: {  	s0 =	rddreg [dreg:$0x0];
	s2 =	stileid.u32  }
0x2b9: {  	s1 =	rddreg [dreg:$0x1];
	p0 =	sne.s32 s2, $0x0  }
0x2ba: {  	s3 =	rddreg [dreg:$0x2];
	[bflag:$0x3] =	sbarrier.arrive $0xFFFF;
	s2 =	simm.s32 @!p0 $0x1C07  }
0x2bb: {  	[timem:s3], [sflag:s2] =	dma.local @!p0 [hbm:s0], s1  }
0x2bc: {  	s0 =	simm.s32 @!p0 $0x7  }
0x2bd: {  	_ =	swait.ge @!p0 [sflag:s0], s1  }
0x2be: {  	s1 =	ssub.s32 @!p0 $0x0, s1;
	[sflag:s0] =	ssyncset.done @!p0 $0x0  }
0x2bf: {  	[sflag:s0] =	ssyncadd.s32 @!p0 s1  }
0x2c0: {  	[bflag:$0x3] =	sbarrier.arrive $0xFFFF  }
0x2c1: {  	_ =	shalt  }

</sc_bundles>
